<compile_context>
chip_gen: v7x
topology: tpu7x:2x2x1
jax: 0.10.2.dev20260603
libtpu: 0.0.44.dev20260713+nightly
codegen_flags: <defaults>
</compile_context>

<pallas_src>
import functools

import jax
import jax.numpy as jnp
from jax import lax
from jax.experimental import pallas as pl
from jax.experimental.pallas import tpu as pltpu
from jax.experimental.pallas import tpu_sc as plsc

E = 8
H = 1024
FF = 2048
S = 2048
NSLOT = 2 * S
R = 256
G = 24
NR = G * R
LANES = 16
NW = 32

_mesh = plsc.VectorSubcoreMesh(core_axis_name="c", subcore_axis_name="s")


def _router_body(x_ref, gw_ref, e0_ref, e1_ref, w0_ref, w1_ref):
    l = jnp.dot(x_ref[...], gw_ref[...], preferred_element_type=jnp.float32)
    idx = lax.broadcasted_iota(jnp.int32, l.shape, 1)
    m0 = jnp.max(l, axis=1, keepdims=True)
    e0 = jnp.min(jnp.where(l == m0, idx, E), axis=1, keepdims=True)
    l2 = jnp.where(idx == e0, -jnp.inf, l)
    m1 = jnp.max(l2, axis=1, keepdims=True)
    e1 = jnp.min(jnp.where(l2 == m1, idx, E), axis=1, keepdims=True)
    p0 = 1.0 / (1.0 + jnp.exp(m1 - m0))
    e0_ref[...] = e0.reshape(S)
    e1_ref[...] = e1.reshape(S)
    w0_ref[...] = p0.reshape(S)
    w1_ref[...] = 1.0 - p0.reshape(S)


_router = pl.pallas_call(
    _router_body,
    out_shape=[
        jax.ShapeDtypeStruct((S,), jnp.int32),
        jax.ShapeDtypeStruct((S,), jnp.int32),
        jax.ShapeDtypeStruct((S,), jnp.float32),
        jax.ShapeDtypeStruct((S,), jnp.float32),
    ],
)


@functools.partial(
    pl.kernel,
    mesh=_mesh,
    compiler_params=pltpu.CompilerParams(needs_layout_passes=False),
    out_type=[
        jax.ShapeDtypeStruct((32,), jnp.int32),
        jax.ShapeDtypeStruct((NR,), jnp.int32),
        jax.ShapeDtypeStruct((NR,), jnp.float32),
        jax.ShapeDtypeStruct((NSLOT,), jnp.int32),
    ],
    scratch_types=[
        pltpu.VMEM((NSLOT,), jnp.int32),
        pltpu.VMEM((NSLOT,), jnp.float32),
        pltpu.VMEM((NR,), jnp.int32),
        pltpu.VMEM((NR,), jnp.float32),
        pltpu.VMEM((NSLOT,), jnp.int32),
        pltpu.VMEM((32,), jnp.int32),
    ],
)
def _dispatch_meta(e0_hbm, e1_hbm, w0_hbm, w1_hbm,
                   be_hbm, rt_hbm, rw_hbm, pos_hbm,
                   sel_v, w_v, rt_v, rw_v, pos_v, be_v):
    wid = lax.axis_index("s") * 2 + lax.axis_index("c")

    @pl.when(wid == 0)
    def _():
        pltpu.sync_copy(e0_hbm, sel_v.at[pl.ds(0, S)])
        pltpu.sync_copy(e1_hbm, sel_v.at[pl.ds(S, S)])
        pltpu.sync_copy(w0_hbm, w_v.at[pl.ds(0, S)])
        pltpu.sync_copy(w1_hbm, w_v.at[pl.ds(S, S)])

        nvec = NSLOT // LANES

        def hist_body(i, acc):
            v = sel_v[pl.ds(i * LANES, LANES)]
            return tuple(acc[e] + (v == e).astype(jnp.int32) for e in range(E))

        acc = lax.fori_loop(
            0, nvec, hist_body,
            tuple(jnp.zeros((LANES,), jnp.int32) for _ in range(E)))
        tot = [jnp.sum(a) for a in acc]
        nb = [(t + (R - 1)) >> 8 for t in tot]
        bs = []
        run = jnp.int32(0)
        for e in range(E):
            bs.append(run)
            run = run + nb[e]
        tb = run

        def z_body(i, _):
            rt_v[pl.ds(i * LANES, LANES)] = jnp.zeros((LANES,), jnp.int32)
            rw_v[pl.ds(i * LANES, LANES)] = jnp.zeros((LANES,), jnp.float32)
            return 0

        lax.fori_loop(0, NR // LANES, z_body, 0)

        def p2_body(i, cur):
            v = sel_v[pl.ds(i * LANES, LANES)]
            w = w_v[pl.ds(i * LANES, LANES)]
            pos = jnp.zeros((LANES,), jnp.int32)
            ncur = []
            for e in range(E):
                m = v == e
                mi = m.astype(jnp.int32)
                csum = plsc.cumsum(mi)
                pos = jnp.where(m, cur[e] + csum - 1, pos)
                ncur.append(cur[e] + jnp.sum(mi))
            tok = (i * LANES + lax.iota(jnp.int32, 16)) & (S - 1)
            plsc.store_scatter(rt_v, [pos], tok)
            plsc.store_scatter(rw_v, [pos], w)
            pos_v[pl.ds(i * LANES, LANES)] = pos
            return tuple(ncur)

        lax.fori_loop(0, nvec, p2_body, tuple(bs[e] * R for e in range(E)))

        for j in range(2):
            g = lax.iota(jnp.int32, 16) + j * LANES
            ge = jnp.minimum(g, tb - 1)
            be = jnp.zeros((LANES,), jnp.int32)
            for e in range(1, E):
                be = be + (ge >= bs[e]).astype(jnp.int32)
            if j == 1:
                be = jnp.where(lax.iota(jnp.int32, 16) == 15, tb, be)
            be_v[pl.ds(j * LANES, LANES)] = be

        pltpu.sync_copy(be_v, be_hbm)
        pltpu.sync_copy(rt_v, rt_hbm)
        pltpu.sync_copy(rw_v, rw_hbm)
        pltpu.sync_copy(pos_v, pos_hbm)


def _mlp_body(be_ref, rt_ref, x_ref, w1_ref, w3_ref, w2_ref, rw_ref, y_ref):
    g = pl.program_id(0)

    @pl.when(g < be_ref[31])
    def _():
        tok = rt_ref[0]
        ids = lax.broadcasted_iota(jnp.int32, (R, S), 1)
        onehot = (ids == tok).astype(jnp.float32)
        x = jnp.dot(onehot, x_ref[...], preferred_element_type=jnp.float32)
        a = jnp.dot(x, w1_ref[0], preferred_element_type=jnp.float32)
        u = jnp.dot(x, w3_ref[0], preferred_element_type=jnp.float32)
        h = (a / (1.0 + jnp.exp(-a))) * u
        y = jnp.dot(h, w2_ref[0], preferred_element_type=jnp.float32)
        y = y * rw_ref[...]
        u1 = jax.lax.bitcast_convert_type(y[:, :H // 2], jnp.int32)
        u2 = jax.lax.bitcast_convert_type(y[:, H // 2:], jnp.int32)
        lo = ((u1 + 0x8000) >> 16) & 0xFFFF
        hi = (u2 + 0x8000) & (-65536)
        y_ref[...] = lo | hi


_mlp = pl.pallas_call(
    _mlp_body,
    grid_spec=pltpu.PrefetchScalarGridSpec(
        num_scalar_prefetch=1,
        grid=(G,),
        in_specs=[
            pl.BlockSpec((1, R, 1), lambda g, be: (g, 0, 0)),
            pl.BlockSpec((S, H), lambda g, be: (0, 0)),
            pl.BlockSpec((1, H, FF), lambda g, be: (be[g], 0, 0)),
            pl.BlockSpec((1, H, FF), lambda g, be: (be[g], 0, 0)),
            pl.BlockSpec((1, FF, H), lambda g, be: (be[g], 0, 0)),
            pl.BlockSpec((R, 1), lambda g, be: (g, 0)),
        ],
        out_specs=pl.BlockSpec((R, H // 2), lambda g, be: (g, 0)),
    ),
    out_shape=jax.ShapeDtypeStruct((NR, H // 2), jnp.int32),
    compiler_params=pltpu.CompilerParams(
        dimension_semantics=("arbitrary",),
        vmem_limit_bytes=100 * 1024 * 1024,
    ),
)


_TOK_PER = S // NW
_MCH = 16


_MNCH = _TOK_PER // _MCH


@functools.partial(
    pl.kernel,
    mesh=_mesh,
    compiler_params=pltpu.CompilerParams(needs_layout_passes=False),
    out_type=jax.ShapeDtypeStruct((S, H), jnp.float32),
    scratch_types=[
        pltpu.VMEM((_TOK_PER,), jnp.int32),
        pltpu.VMEM((_TOK_PER,), jnp.int32),
    ] + [pltpu.VMEM((_MCH, H // 2), jnp.int32) for _ in range(4)]
      + [pltpu.VMEM((_MCH, H), jnp.float32) for _ in range(2)]
      + [pltpu.SemaphoreType.DMA for _ in range(6)],
)
def _merge(y_hbm, pos_hbm, out_hbm, p0_v, p1_v, *bufsem):
    y0 = bufsem[0:2]
    y1 = bufsem[2:4]
    ov = bufsem[4:6]
    sa = bufsem[6:8]
    sb = bufsem[8:10]
    so = bufsem[10:12]
    wid = lax.axis_index("s") * 2 + lax.axis_index("c")
    base = wid * _TOK_PER
    pltpu.sync_copy(pos_hbm.at[pl.ds(base, _TOK_PER)], p0_v)
    pltpu.sync_copy(pos_hbm.at[pl.ds(S + base, _TOK_PER)], p1_v)

    d0 = [None] * _MNCH
    d1 = [None] * _MNCH
    o_desc = [None, None]
    for c in range(2):
        d0[c] = pltpu.async_copy(
            y_hbm.at[p0_v.at[pl.ds(c * _MCH, _MCH)]], y0[c % 2], sa[c % 2])
        d1[c] = pltpu.async_copy(
            y_hbm.at[p1_v.at[pl.ds(c * _MCH, _MCH)]], y1[c % 2], sb[c % 2])
    for c in range(_MNCH):
        p = c % 2
        d0[c].wait()
        d1[c].wait()
        if o_desc[p] is not None:
            o_desc[p].wait()

        def add_body(i, _, y0r=y0[p], y1r=y1[p], ovr=ov[p]):
            r = i >> 5
            w = (i & 31) * LANES
            v0 = y0r[r, pl.ds(w, LANES)]
            v1 = y1r[r, pl.ds(w, LANES)]
            ev = (plsc.bitcast(v0 << 16, jnp.float32)
                  + plsc.bitcast(v1 << 16, jnp.float32))
            od_ = (plsc.bitcast(v0 & (-65536), jnp.float32)
                   + plsc.bitcast(v1 & (-65536), jnp.float32))
            ovr[r, pl.ds(w, LANES)] = ev
            ovr[r, pl.ds(H // 2 + w, LANES)] = od_
            return 0

        lax.fori_loop(0, _MCH * (H // (2 * LANES)), add_body, 0)
        o_desc[p] = pltpu.async_copy(
            ov[p], out_hbm.at[pl.ds(base + c * _MCH, _MCH)], so[p])
        if c + 2 < _MNCH:
            d0[c + 2] = pltpu.async_copy(
                y_hbm.at[p0_v.at[pl.ds((c + 2) * _MCH, _MCH)]], y0[p], sa[p])
            d1[c + 2] = pltpu.async_copy(
                y_hbm.at[p1_v.at[pl.ds((c + 2) * _MCH, _MCH)]], y1[p], sb[p])
    o_desc[0].wait()
    o_desc[1].wait()


def kernel(hidden_states, gate_w, w1, w2, w3):
    b, s, h = hidden_states.shape
    x2d = hidden_states.reshape(s, h)
    e0, e1, wt0, wt1 = _router(x2d, gate_w)
    be, rt, rw, pos = _dispatch_meta(e0, e1, wt0, wt1)
    py = _mlp(be, rt.reshape(G, R, 1), x2d, w1, w3, w2, rw.reshape(NR, 1))
    out = _merge(py, pos)
    return out.reshape(b, s, h)

# --- scband reference (transcript-rebuilt; emitter-appended) ---
"""Pipeline reference for scband-mo-e-17136919511844 (READ-ONLY COPY).

The authoritative reference and input builder live on the scoring server;
editing this copy changes nothing except your own understanding.
"""

import jax, jax.numpy as jnp
import numpy as np

NUM_EXPERTS = 8
TOP_K = 2
HIDDEN = 1024
FF = 2048  # intermediate_size // tp_size
B = 1
S = 2048


def setup_inputs(seed: int = 0) -> dict:
    key = jax.random.key(seed)
    k0, k1, k2, k3, k4 = jax.random.split(key, 5)
    hidden_states = jax.random.normal(k0, (B, S, HIDDEN), dtype=jnp.float32)
    # gate: ReplicatedLinear(hidden, num_experts), no bias -> weight [HIDDEN, E]
    gate_w = jax.random.normal(k1, (HIDDEN, NUM_EXPERTS), dtype=jnp.float32) * 0.02
    # per-expert MLP weights, stored transposed like self.expert_w*s (x @ W layout)
    w1 = jax.random.normal(k2, (NUM_EXPERTS, HIDDEN, FF), dtype=jnp.float32) * 0.02
    w3 = jax.random.normal(k3, (NUM_EXPERTS, HIDDEN, FF), dtype=jnp.float32) * 0.02
    w2 = jax.random.normal(k4, (NUM_EXPERTS, FF, HIDDEN), dtype=jnp.float32) * 0.02
    return {"hidden_states": hidden_states, "gate_w": gate_w, "w1": w1, "w2": w2, "w3": w3}


def reference(hidden_states, gate_w, w1, w2, w3):
    b, s, h = hidden_states.shape
    x = hidden_states.reshape(-1, h)
    # router
    router_logits = x @ gate_w
    routing_weights = jax.nn.softmax(router_logits.astype(jnp.float32), axis=1)
    routing_weights, selected_experts = jax.lax.top_k(routing_weights, TOP_K)
    routing_weights = routing_weights / routing_weights.sum(axis=-1, keepdims=True)
    # expand_and_permutate_hidden_states: sort (token, k) slots by expert id
    sel_flat = selected_experts.reshape(-1)
    experts_indices = jnp.argsort(sel_flat)
    sorted_experts = sel_flat[experts_indices]
    expanded_weights = routing_weights.reshape(-1)[experts_indices]
    token_idx = experts_indices // TOP_K
    expanded_hidden_states = x[token_idx]
    # grouped_mlp: per-expert SwiGLU MLP on each expert's contiguous row group
    out_rows = jnp.zeros((expanded_hidden_states.shape[0], h), dtype=x.dtype)
    for e in range(NUM_EXPERTS):
        gate_act = jax.nn.silu(expanded_hidden_states @ w1[e])
        up = expanded_hidden_states @ w3[e]
        y = (gate_act * up) @ w2[e]
        out_rows = jnp.where((sorted_experts == e)[:, None], y, out_rows)
    # scale by routing weights
    out_rows = out_rows * expanded_weights[:, None]
    # merge_expert_outputs: scatter-add back by original token index
    merged = jnp.zeros((x.shape[0], h), dtype=x.dtype).at[token_idx].add(out_rows)
    return merged.reshape(b, s, h)

if __name__ == "__main__":
    import jax
    _d = setup_inputs()
    print(jax.jit(kernel)(*tuple(_d.values())))

</pallas_src>

<mosaic_0001>
#map = affine_map<(d0, d1) -> (0)>
module attributes {stable_mosaic.version = 14 : i64} {
  func.func @_dispatch_meta(%arg0: i32, %arg1: i32, %arg2: memref<2048xi32, #tpu.memory_space<hbm>>, %arg3: memref<2048xi32, #tpu.memory_space<hbm>>, %arg4: memref<2048xf32, #tpu.memory_space<hbm>>, %arg5: memref<2048xf32, #tpu.memory_space<hbm>>, %arg6: memref<32xi32, #tpu.memory_space<hbm>>, %arg7: memref<6144xi32, #tpu.memory_space<hbm>>, %arg8: memref<6144xf32, #tpu.memory_space<hbm>>, %arg9: memref<4096xi32, #tpu.memory_space<hbm>>, %arg10: memref<4096xi32, #tpu.memory_space<vmem>>, %arg11: memref<4096xf32, #tpu.memory_space<vmem>>, %arg12: memref<6144xi32, #tpu.memory_space<vmem>>, %arg13: memref<6144xf32, #tpu.memory_space<vmem>>, %arg14: memref<4096xi32, #tpu.memory_space<vmem>>, %arg15: memref<32xi32, #tpu.memory_space<vmem>>) attributes {dimension_semantics = [#tpu.dimension_semantics<core_parallel>, #tpu.dimension_semantics<subcore_parallel>], iteration_bounds = array<i64: 2, 16>, scalar_prefetch = 0 : i64, scratch_operands = 6 : i64, tpu.core_type = #tpu.core_type<sc_vector_subcore>, window_params = [{transform_indices = #map}, {transform_indices = #map}, {transform_indices = #map}, {transform_indices = #map}, {transform_indices = #map}, {transform_indices = #map}, {transform_indices = #map}, {transform_indices = #map}]} {
    %mul3A = arith.constant 2 : i32
    %mul3A_0 = arith.muli %arg1, %mul3A : i32
    %add3A = arith.addi %mul3A_0, %arg0 : i32
    %eq3A = arith.constant 0 : i32
    %eq3A_1 = arith.cmpi eq, %add3A, %eq3A : i32
    %convert_element_type3A = arith.extui %eq3A_1 : i1 to i32
    %cond3A = arith.constant 0 : i32
    %cond3A_2 = arith.cmpi ne, %convert_element_type3A, %cond3A : i32
    scf.if %cond3A_2 {
      "tpu.region"() ({
        %run_scoped3A = tpu.sem_alloc : memref<!tpu.dma_semaphore, #tpu.memory_space<semaphore_mem>>
        %dma_start3A = arith.constant 0 : i32
        %dma_start3A_204 = tpu.memref_slice %arg10[%dma_start3A] : memref<4096xi32, #tpu.memory_space<vmem>> -> memref<2048xi32, #tpu.memory_space<vmem>>
        %dma_start3A_205 = arith.constant 0 : i32
        %dma_start3A_206 = tpu.memref_slice %arg10[%dma_start3A_205] : memref<4096xi32, #tpu.memory_space<vmem>> -> memref<2048xi32, #tpu.memory_space<vmem>>
        tpu.enqueue_dma source(%arg2 : memref<2048xi32, #tpu.memory_space<hbm>>) target(%dma_start3A_206 : memref<2048xi32, #tpu.memory_space<vmem>>) target_semaphore(%run_scoped3A : memref<!tpu.dma_semaphore, #tpu.memory_space<semaphore_mem>>)
        %dma_wait3A = arith.constant 0 : i32
        %dma_wait3A_207 = tpu.memref_slice %arg10[%dma_wait3A] : memref<4096xi32, #tpu.memory_space<vmem>> -> memref<2048xi32, #tpu.memory_space<vmem>>
        %dma_wait3A_208 = arith.constant 0 : i32
        %dma_wait3A_209 = tpu.memref_slice %arg10[%dma_wait3A_208] : memref<4096xi32, #tpu.memory_space<vmem>> -> memref<2048xi32, #tpu.memory_space<vmem>>
        tpu.wait_dma2 semaphore(%run_scoped3A : memref<!tpu.dma_semaphore, #tpu.memory_space<semaphore_mem>>) src(%arg2 : memref<2048xi32, #tpu.memory_space<hbm>>) dst(%dma_wait3A_209 : memref<2048xi32, #tpu.memory_space<vmem>>)
        tpu.yield
      }) : () -> ()
      "tpu.region"() ({
        %run_scoped3A = tpu.sem_alloc : memref<!tpu.dma_semaphore, #tpu.memory_space<semaphore_mem>>
        %dma_start3A = arith.constant 2048 : i32
        %dma_start3A_204 = tpu.memref_slice %arg10[%dma_start3A] : memref<4096xi32, #tpu.memory_space<vmem>> -> memref<2048xi32, #tpu.memory_space<vmem>>
        %dma_start3A_205 = arith.constant 2048 : i32
        %dma_start3A_206 = tpu.memref_slice %arg10[%dma_start3A_205] : memref<4096xi32, #tpu.memory_space<vmem>> -> memref<2048xi32, #tpu.memory_space<vmem>>
        tpu.enqueue_dma source(%arg3 : memref<2048xi32, #tpu.memory_space<hbm>>) target(%dma_start3A_206 : memref<2048xi32, #tpu.memory_space<vmem>>) target_semaphore(%run_scoped3A : memref<!tpu.dma_semaphore, #tpu.memory_space<semaphore_mem>>)
        %dma_wait3A = arith.constant 2048 : i32
        %dma_wait3A_207 = tpu.memref_slice %arg10[%dma_wait3A] : memref<4096xi32, #tpu.memory_space<vmem>> -> memref<2048xi32, #tpu.memory_space<vmem>>
        %dma_wait3A_208 = arith.constant 2048 : i32
        %dma_wait3A_209 = tpu.memref_slice %arg10[%dma_wait3A_208] : memref<4096xi32, #tpu.memory_space<vmem>> -> memref<2048xi32, #tpu.memory_space<vmem>>
        tpu.wait_dma2 semaphore(%run_scoped3A : memref<!tpu.dma_semaphore, #tpu.memory_space<semaphore_mem>>) src(%arg3 : memref<2048xi32, #tpu.memory_space<hbm>>) dst(%dma_wait3A_209 : memref<2048xi32, #tpu.memory_space<vmem>>)
        tpu.yield
      }) : () -> ()
      "tpu.region"() ({
        %run_scoped3A = tpu.sem_alloc : memref<!tpu.dma_semaphore, #tpu.memory_space<semaphore_mem>>
        %dma_start3A = arith.constant 0 : i32
        %dma_start3A_204 = tpu.memref_slice %arg11[%dma_start3A] : memref<4096xf32, #tpu.memory_space<vmem>> -> memref<2048xf32, #tpu.memory_space<vmem>>
        %dma_start3A_205 = arith.constant 0 : i32
        %dma_start3A_206 = tpu.memref_slice %arg11[%dma_start3A_205] : memref<4096xf32, #tpu.memory_space<vmem>> -> memref<2048xf32, #tpu.memory_space<vmem>>
        tpu.enqueue_dma source(%arg4 : memref<2048xf32, #tpu.memory_space<hbm>>) target(%dma_start3A_206 : memref<2048xf32, #tpu.memory_space<vmem>>) target_semaphore(%run_scoped3A : memref<!tpu.dma_semaphore, #tpu.memory_space<semaphore_mem>>)
        %dma_wait3A = arith.constant 0 : i32
        %dma_wait3A_207 = tpu.memref_slice %arg11[%dma_wait3A] : memref<4096xf32, #tpu.memory_space<vmem>> -> memref<2048xf32, #tpu.memory_space<vmem>>
        %dma_wait3A_208 = arith.constant 0 : i32
        %dma_wait3A_209 = tpu.memref_slice %arg11[%dma_wait3A_208] : memref<4096xf32, #tpu.memory_space<vmem>> -> memref<2048xf32, #tpu.memory_space<vmem>>
        tpu.wait_dma2 semaphore(%run_scoped3A : memref<!tpu.dma_semaphore, #tpu.memory_space<semaphore_mem>>) src(%arg4 : memref<2048xf32, #tpu.memory_space<hbm>>) dst(%dma_wait3A_209 : memref<2048xf32, #tpu.memory_space<vmem>>)
        tpu.yield
      }) : () -> ()
      "tpu.region"() ({
        %run_scoped3A = tpu.sem_alloc : memref<!tpu.dma_semaphore, #tpu.memory_space<semaphore_mem>>
        %dma_start3A = arith.constant 2048 : i32
        %dma_start3A_204 = tpu.memref_slice %arg11[%dma_start3A] : memref<4096xf32, #tpu.memory_space<vmem>> -> memref<2048xf32, #tpu.memory_space<vmem>>
        %dma_start3A_205 = arith.constant 2048 : i32
        %dma_start3A_206 = tpu.memref_slice %arg11[%dma_start3A_205] : memref<4096xf32, #tpu.memory_space<vmem>> -> memref<2048xf32, #tpu.memory_space<vmem>>
        tpu.enqueue_dma source(%arg5 : memref<2048xf32, #tpu.memory_space<hbm>>) target(%dma_start3A_206 : memref<2048xf32, #tpu.memory_space<vmem>>) target_semaphore(%run_scoped3A : memref<!tpu.dma_semaphore, #tpu.memory_space<semaphore_mem>>)
        %dma_wait3A = arith.constant 2048 : i32
        %dma_wait3A_207 = tpu.memref_slice %arg11[%dma_wait3A] : memref<4096xf32, #tpu.memory_space<vmem>> -> memref<2048xf32, #tpu.memory_space<vmem>>
        %dma_wait3A_208 = arith.constant 2048 : i32
        %dma_wait3A_209 = tpu.memref_slice %arg11[%dma_wait3A_208] : memref<4096xf32, #tpu.memory_space<vmem>> -> memref<2048xf32, #tpu.memory_space<vmem>>
        tpu.wait_dma2 semaphore(%run_scoped3A : memref<!tpu.dma_semaphore, #tpu.memory_space<semaphore_mem>>) src(%arg5 : memref<2048xf32, #tpu.memory_space<hbm>>) dst(%dma_wait3A_209 : memref<2048xf32, #tpu.memory_space<vmem>>)
        tpu.yield
      }) : () -> ()
      %broadcast_in_dim3A = arith.constant 0 : i32
      %broadcast_in_dim3A_3 = vector.broadcast %broadcast_in_dim3A : i32 to vector<16xi32>
      %broadcast_in_dim3A_4 = arith.constant 0 : i32
      %broadcast_in_dim3A_5 = vector.broadcast %broadcast_in_dim3A_4 : i32 to vector<16xi32>
      %broadcast_in_dim3A_6 = arith.constant 0 : i32
      %broadcast_in_dim3A_7 = vector.broadcast %broadcast_in_dim3A_6 : i32 to vector<16xi32>
      %broadcast_in_dim3A_8 = arith.constant 0 : i32
      %broadcast_in_dim3A_9 = vector.broadcast %broadcast_in_dim3A_8 : i32 to vector<16xi32>
      %broadcast_in_dim3A_10 = arith.constant 0 : i32
      %broadcast_in_dim3A_11 = vector.broadcast %broadcast_in_dim3A_10 : i32 to vector<16xi32>
      %broadcast_in_dim3A_12 = arith.constant 0 : i32
      %broadcast_in_dim3A_13 = vector.broadcast %broadcast_in_dim3A_12 : i32 to vector<16xi32>
      %broadcast_in_dim3A_14 = arith.constant 0 : i32
      %broadcast_in_dim3A_15 = vector.broadcast %broadcast_in_dim3A_14 : i32 to vector<16xi32>
      %broadcast_in_dim3A_16 = arith.constant 0 : i32
      %broadcast_in_dim3A_17 = vector.broadcast %broadcast_in_dim3A_16 : i32 to vector<16xi32>
      %scan3A = arith.constant 0 : i32
      %scan3A_18 = arith.constant 256 : i32
      %scan3A_19 = arith.addi %scan3A, %scan3A_18 : i32
      %scan3A_20 = arith.constant 1 : i32
      %scan3A_21:8 = scf.for %scan3A_204 = %scan3A to %scan3A_19 step %scan3A_20 iter_args(%scan3A_205 = %broadcast_in_dim3A_3, %scan3A_206 = %broadcast_in_dim3A_5, %scan3A_207 = %broadcast_in_dim3A_7, %scan3A_208 = %broadcast_in_dim3A_9, %scan3A_209 = %broadcast_in_dim3A_11, %scan3A_210 = %broadcast_in_dim3A_13, %scan3A_211 = %broadcast_in_dim3A_15, %scan3A_212 = %broadcast_in_dim3A_17) -> (vector<16xi32>, vector<16xi32>, vector<16xi32>, vector<16xi32>, vector<16xi32>, vector<16xi32>, vector<16xi32>, vector<16xi32>)  : i32 {
        %mul3A_213 = arith.constant 16 : i32
        %mul3A_214 = arith.muli %scan3A_204, %mul3A_213 : i32
        %get3A = arith.index_cast %mul3A_214 : i32 to index
        %get3A_215 = tpu.vector_load %arg10[%get3A] {strides = array<i32>} : memref<4096xi32, #tpu.memory_space<vmem>>, vector<16xi32>,
        %eq3A_216 = arith.constant 0 : i32
        %eq3A_217 = vector.broadcast %eq3A_216 : i32 to vector<16xi32>
        %eq3A_218 = arith.cmpi eq, %get3A_215, %eq3A_217 : vector<16xi32>
        %convert_element_type3A_219 = arith.extui %eq3A_218 : vector<16xi1> to vector<16xi32>
        %add3A_220 = arith.addi %scan3A_205, %convert_element_type3A_219 : vector<16xi32>
        %eq3A_221 = arith.constant 1 : i32
        %eq3A_222 = vector.broadcast %eq3A_221 : i32 to vector<16xi32>
        %eq3A_223 = arith.cmpi eq, %get3A_215, %eq3A_222 : vector<16xi32>
        %convert_element_type3A_224 = arith.extui %eq3A_223 : vector<16xi1> to vector<16xi32>
        %add3A_225 = arith.addi %scan3A_206, %convert_element_type3A_224 : vector<16xi32>
        %eq3A_226 = arith.constant 2 : i32
        %eq3A_227 = vector.broadcast %eq3A_226 : i32 to vector<16xi32>
        %eq3A_228 = arith.cmpi eq, %get3A_215, %eq3A_227 : vector<16xi32>
        %convert_element_type3A_229 = arith.extui %eq3A_228 : vector<16xi1> to vector<16xi32>
        %add3A_230 = arith.addi %scan3A_207, %convert_element_type3A_229 : vector<16xi32>
        %eq3A_231 = arith.constant 3 : i32
        %eq3A_232 = vector.broadcast %eq3A_231 : i32 to vector<16xi32>
        %eq3A_233 = arith.cmpi eq, %get3A_215, %eq3A_232 : vector<16xi32>
        %convert_element_type3A_234 = arith.extui %eq3A_233 : vector<16xi1> to vector<16xi32>
        %add3A_235 = arith.addi %scan3A_208, %convert_element_type3A_234 : vector<16xi32>
        %eq3A_236 = arith.constant 4 : i32
        %eq3A_237 = vector.broadcast %eq3A_236 : i32 to vector<16xi32>
        %eq3A_238 = arith.cmpi eq, %get3A_215, %eq3A_237 : vector<16xi32>
        %convert_element_type3A_239 = arith.extui %eq3A_238 : vector<16xi1> to vector<16xi32>
        %add3A_240 = arith.addi %scan3A_209, %convert_element_type3A_239 : vector<16xi32>
        %eq3A_241 = arith.constant 5 : i32
        %eq3A_242 = vector.broadcast %eq3A_241 : i32 to vector<16xi32>
        %eq3A_243 = arith.cmpi eq, %get3A_215, %eq3A_242 : vector<16xi32>
        %convert_element_type3A_244 = arith.extui %eq3A_243 : vector<16xi1> to vector<16xi32>
        %add3A_245 = arith.addi %scan3A_210, %convert_element_type3A_244 : vector<16xi32>
        %eq3A_246 = arith.constant 6 : i32
        %eq3A_247 = vector.broadcast %eq3A_246 : i32 to vector<16xi32>
        %eq3A_248 = arith.cmpi eq, %get3A_215, %eq3A_247 : vector<16xi32>
        %convert_element_type3A_249 = arith.extui %eq3A_248 : vector<16xi1> to vector<16xi32>
        %add3A_250 = arith.addi %scan3A_211, %convert_element_type3A_249 : vector<16xi32>
        %eq3A_251 = arith.constant 7 : i32
        %eq3A_252 = vector.broadcast %eq3A_251 : i32 to vector<16xi32>
        %eq3A_253 = arith.cmpi eq, %get3A_215, %eq3A_252 : vector<16xi32>
        %convert_element_type3A_254 = arith.extui %eq3A_253 : vector<16xi1> to vector<16xi32>
        %add3A_255 = arith.addi %scan3A_212, %convert_element_type3A_254 : vector<16xi32>
        scf.yield %add3A_220, %add3A_225, %add3A_230, %add3A_235, %add3A_240, %add3A_245, %add3A_250, %add3A_255 : vector<16xi32>, vector<16xi32>, vector<16xi32>, vector<16xi32>, vector<16xi32>, vector<16xi32>, vector<16xi32>, vector<16xi32>
      }
      %scan3A_22 = arith.constant 256 : i32
      %reduce_sum3A = arith.constant true
      %reduce_sum3A_23 = vector.broadcast %reduce_sum3A : i1 to vector<16xi1>
      %reduce_sum3A_24 = tpu.scan <sum>, %scan3A_21#0 masked %reduce_sum3A_23 : vector<16xi32>, vector<16xi1> -> vector<16xi32>
      %reduce_sum3A_25 = vector.extract %reduce_sum3A_24[15] : i32 from vector<16xi32>
      %reduce_sum3A_26 = arith.constant true
      %reduce_sum3A_27 = vector.broadcast %reduce_sum3A_26 : i1 to vector<16xi1>
      %reduce_sum3A_28 = tpu.scan <sum>, %scan3A_21#1 masked %reduce_sum3A_27 : vector<16xi32>, vector<16xi1> -> vector<16xi32>
      %reduce_sum3A_29 = vector.extract %reduce_sum3A_28[15] : i32 from vector<16xi32>
      %reduce_sum3A_30 = arith.constant true
      %reduce_sum3A_31 = vector.broadcast %reduce_sum3A_30 : i1 to vector<16xi1>
      %reduce_sum3A_32 = tpu.scan <sum>, %scan3A_21#2 masked %reduce_sum3A_31 : vector<16xi32>, vector<16xi1> -> vector<16xi32>
      %reduce_sum3A_33 = vector.extract %reduce_sum3A_32[15] : i32 from vector<16xi32>
      %reduce_sum3A_34 = arith.constant true
      %reduce_sum3A_35 = vector.broadcast %reduce_sum3A_34 : i1 to vector<16xi1>
      %reduce_sum3A_36 = tpu.scan <sum>, %scan3A_21#3 masked %reduce_sum3A_35 : vector<16xi32>, vector<16xi1> -> vector<16xi32>
      %reduce_sum3A_37 = vector.extract %reduce_sum3A_36[15] : i32 from vector<16xi32>
      %reduce_sum3A_38 = arith.constant true
      %reduce_sum3A_39 = vector.broadcast %reduce_sum3A_38 : i1 to vector<16xi1>
      %reduce_sum3A_40 = tpu.scan <sum>, %scan3A_21#4 masked %reduce_sum3A_39 : vector<16xi32>, vector<16xi1> -> vector<16xi32>
      %reduce_sum3A_41 = vector.extract %reduce_sum3A_40[15] : i32 from vector<16xi32>
      %reduce_sum3A_42 = arith.constant true
      %reduce_sum3A_43 = vector.broadcast %reduce_sum3A_42 : i1 to vector<16xi1>
      %reduce_sum3A_44 = tpu.scan <sum>, %scan3A_21#5 masked %reduce_sum3A_43 : vector<16xi32>, vector<16xi1> -> vector<16xi32>
      %reduce_sum3A_45 = vector.extract %reduce_sum3A_44[15] : i32 from vector<16xi32>
      %reduce_sum3A_46 = arith.constant true
      %reduce_sum3A_47 = vector.broadcast %reduce_sum3A_46 : i1 to vector<16xi1>
      %reduce_sum3A_48 = tpu.scan <sum>, %scan3A_21#6 masked %reduce_sum3A_47 : vector<16xi32>, vector<16xi1> -> vector<16xi32>
      %reduce_sum3A_49 = vector.extract %reduce_sum3A_48[15] : i32 from vector<16xi32>
      %reduce_sum3A_50 = arith.constant true
      %reduce_sum3A_51 = vector.broadcast %reduce_sum3A_50 : i1 to vector<16xi1>
      %reduce_sum3A_52 = tpu.scan <sum>, %scan3A_21#7 masked %reduce_sum3A_51 : vector<16xi32>, vector<16xi1> -> vector<16xi32>
      %reduce_sum3A_53 = vector.extract %reduce_sum3A_52[15] : i32 from vector<16xi32>
      %add3A_54 = arith.constant 255 : i32
      %add3A_55 = arith.addi %reduce_sum3A_25, %add3A_54 : i32
      %shift_right_arithmetic3A = arith.constant 8 : i32
      %shift_right_arithmetic3A_56 = arith.shrsi %add3A_55, %shift_right_arithmetic3A : i32
      %add3A_57 = arith.constant 255 : i32
      %add3A_58 = arith.addi %reduce_sum3A_29, %add3A_57 : i32
      %shift_right_arithmetic3A_59 = arith.constant 8 : i32
      %shift_right_arithmetic3A_60 = arith.shrsi %add3A_58, %shift_right_arithmetic3A_59 : i32
      %add3A_61 = arith.constant 255 : i32
      %add3A_62 = arith.addi %reduce_sum3A_33, %add3A_61 : i32
      %shift_right_arithmetic3A_63 = arith.constant 8 : i32
      %shift_right_arithmetic3A_64 = arith.shrsi %add3A_62, %shift_right_arithmetic3A_63 : i32
      %add3A_65 = arith.constant 255 : i32
      %add3A_66 = arith.addi %reduce_sum3A_37, %add3A_65 : i32
      %shift_right_arithmetic3A_67 = arith.constant 8 : i32
      %shift_right_arithmetic3A_68 = arith.shrsi %add3A_66, %shift_right_arithmetic3A_67 : i32
      %add3A_69 = arith.constant 255 : i32
      %add3A_70 = arith.addi %reduce_sum3A_41, %add3A_69 : i32
      %shift_right_arithmetic3A_71 = arith.constant 8 : i32
      %shift_right_arithmetic3A_72 = arith.shrsi %add3A_70, %shift_right_arithmetic3A_71 : i32
      %add3A_73 = arith.constant 255 : i32
      %add3A_74 = arith.addi %reduce_sum3A_45, %add3A_73 : i32
      %shift_right_arithmetic3A_75 = arith.constant 8 : i32
      %shift_right_arithmetic3A_76 = arith.shrsi %add3A_74, %shift_right_arithmetic3A_75 : i32
      %add3A_77 = arith.constant 255 : i32
      %add3A_78 = arith.addi %reduce_sum3A_49, %add3A_77 : i32
      %shift_right_arithmetic3A_79 = arith.constant 8 : i32
      %shift_right_arithmetic3A_80 = arith.shrsi %add3A_78, %shift_right_arithmetic3A_79 : i32
      %add3A_81 = arith.constant 255 : i32
      %add3A_82 = arith.addi %reduce_sum3A_53, %add3A_81 : i32
      %shift_right_arithmetic3A_83 = arith.constant 8 : i32
      %shift_right_arithmetic3A_84 = arith.shrsi %add3A_82, %shift_right_arithmetic3A_83 : i32
      %add3A_85 = arith.constant 0 : i32
      %add3A_86 = arith.addi %add3A_85, %shift_right_arithmetic3A_56 : i32
      %add3A_87 = arith.addi %add3A_86, %shift_right_arithmetic3A_60 : i32
      %add3A_88 = arith.addi %add3A_87, %shift_right_arithmetic3A_64 : i32
      %add3A_89 = arith.addi %add3A_88, %shift_right_arithmetic3A_68 : i32
      %add3A_90 = arith.addi %add3A_89, %shift_right_arithmetic3A_72 : i32
      %add3A_91 = arith.addi %add3A_90, %shift_right_arithmetic3A_76 : i32
      %add3A_92 = arith.addi %add3A_91, %shift_right_arithmetic3A_80 : i32
      %add3A_93 = arith.addi %add3A_92, %shift_right_arithmetic3A_84 : i32
      %scan3A_94 = arith.constant 0 : i32
      %scan3A_95 = arith.constant 0 : i32
      %scan3A_96 = arith.constant 384 : i32
      %scan3A_97 = arith.addi %scan3A_95, %scan3A_96 : i32
      %scan3A_98 = arith.constant 1 : i32
      %scan3A_99 = scf.for %scan3A_204 = %scan3A_95 to %scan3A_97 step %scan3A_98 iter_args(%scan3A_205 = %scan3A_94) -> (i32)  : i32 {
        %broadcast_in_dim3A_206 = arith.constant 0 : i32
        %broadcast_in_dim3A_207 = vector.broadcast %broadcast_in_dim3A_206 : i32 to vector<16xi32>
        %mul3A_208 = arith.constant 16 : i32
        %mul3A_209 = arith.muli %scan3A_204, %mul3A_208 : i32
        %swap3A_210 = arith.index_cast %mul3A_209 : i32 to index
        %swap3A_211 = tpu.vector_load %arg12[%swap3A_210] {strides = array<i32>} : memref<6144xi32, #tpu.memory_space<vmem>>, vector<16xi32>,
        tpu.vector_store %arg12[%swap3A_210], %broadcast_in_dim3A_207 {strides = array<i32>} : memref<6144xi32, #tpu.memory_space<vmem>>, vector<16xi32>,
        %broadcast_in_dim3A_212 = arith.constant 0.000000e+00 : f32
        %broadcast_in_dim3A_213 = vector.broadcast %broadcast_in_dim3A_212 : f32 to vector<16xf32>
        %mul3A_214 = arith.constant 16 : i32
        %mul3A_215 = arith.muli %scan3A_204, %mul3A_214 : i32
        %swap3A_216 = arith.index_cast %mul3A_215 : i32 to index
        %swap3A_217 = tpu.vector_load %arg13[%swap3A_216] {strides = array<i32>} : memref<6144xf32, #tpu.memory_space<vmem>>, vector<16xf32>,
        tpu.vector_store %arg13[%swap3A_216], %broadcast_in_dim3A_213 {strides = array<i32>} : memref<6144xf32, #tpu.memory_space<vmem>>, vector<16xf32>,
        %scan3A_218 = arith.constant 0 : i32
        scf.yield %scan3A_218 : i32
      }
      %scan3A_100 = arith.constant 384 : i32
      %mul3A_101 = arith.constant 0 : i32
      %mul3A_102 = arith.constant 256 : i32
      %mul3A_103 = arith.muli %mul3A_101, %mul3A_102 : i32
      %mul3A_104 = arith.constant 256 : i32
      %mul3A_105 = arith.muli %add3A_86, %mul3A_104 : i32
      %mul3A_106 = arith.constant 256 : i32
      %mul3A_107 = arith.muli %add3A_87, %mul3A_106 : i32
      %mul3A_108 = arith.constant 256 : i32
      %mul3A_109 = arith.muli %add3A_88, %mul3A_108 : i32
      %mul3A_110 = arith.constant 256 : i32
      %mul3A_111 = arith.muli %add3A_89, %mul3A_110 : i32
      %mul3A_112 = arith.constant 256 : i32
      %mul3A_113 = arith.muli %add3A_90, %mul3A_112 : i32
      %mul3A_114 = arith.constant 256 : i32
      %mul3A_115 = arith.muli %add3A_91, %mul3A_114 : i32
      %mul3A_116 = arith.constant 256 : i32
      %mul3A_117 = arith.muli %add3A_92, %mul3A_116 : i32
      %scan3A_118 = arith.constant 0 : i32
      %scan3A_119 = arith.constant 256 : i32
      %scan3A_120 = arith.addi %scan3A_118, %scan3A_119 : i32
      %scan3A_121 = arith.constant 1 : i32
      %scan3A_122:8 = scf.for %scan3A_204 = %scan3A_118 to %scan3A_120 step %scan3A_121 iter_args(%scan3A_205 = %mul3A_103, %scan3A_206 = %mul3A_105, %scan3A_207 = %mul3A_107, %scan3A_208 = %mul3A_109, %scan3A_209 = %mul3A_111, %scan3A_210 = %mul3A_113, %scan3A_211 = %mul3A_115, %scan3A_212 = %mul3A_117) -> (i32, i32, i32, i32, i32, i32, i32, i32)  : i32 {
        %mul3A_213 = arith.constant 16 : i32
        %mul3A_214 = arith.muli %scan3A_204, %mul3A_213 : i32
        %get3A = arith.index_cast %mul3A_214 : i32 to index
        %get3A_215 = tpu.vector_load %arg10[%get3A] {strides = array<i32>} : memref<4096xi32, #tpu.memory_space<vmem>>, vector<16xi32>,
        %mul3A_216 = arith.constant 16 : i32
        %mul3A_217 = arith.muli %scan3A_204, %mul3A_216 : i32
        %get3A_218 = arith.index_cast %mul3A_217 : i32 to index
        %get3A_219 = tpu.vector_load %arg11[%get3A_218] {strides = array<i32>} : memref<4096xf32, #tpu.memory_space<vmem>>, vector<16xf32>,
        %broadcast_in_dim3A_220 = arith.constant 0 : i32
        %broadcast_in_dim3A_221 = vector.broadcast %broadcast_in_dim3A_220 : i32 to vector<16xi32>
        %eq3A_222 = arith.constant 0 : i32
        %eq3A_223 = vector.broadcast %eq3A_222 : i32 to vector<16xi32>
        %eq3A_224 = arith.cmpi eq, %get3A_215, %eq3A_223 : vector<16xi32>
        %convert_element_type3A_225 = arith.extui %eq3A_224 : vector<16xi1> to vector<16xi32>
        %broadcast_in_dim3A_226 = arith.constant true
        %broadcast_in_dim3A_227 = vector.broadcast %broadcast_in_dim3A_226 : i1 to vector<16xi1>
        %masked_cumsum3A = tpu.scan <sum>, %convert_element_type3A_225 masked %broadcast_in_dim3A_227 : vector<16xi32>, vector<16xi1> -> vector<16xi32>
        %add3A_228 = vector.broadcast %scan3A_205 : i32 to vector<16xi32>
        %add3A_229 = arith.addi %add3A_228, %masked_cumsum3A : vector<16xi32>
        %sub3A_230 = arith.constant 1 : i32
        %sub3A_231 = vector.broadcast %sub3A_230 : i32 to vector<16xi32>
        %sub3A_232 = arith.subi %add3A_229, %sub3A_231 : vector<16xi32>
        %select_n3A_233 = arith.select %eq3A_224, %sub3A_232, %broadcast_in_dim3A_221 : vector<16xi1>, vector<16xi32>
        %reduce_sum3A_234 = arith.constant true
        %reduce_sum3A_235 = vector.broadcast %reduce_sum3A_234 : i1 to vector<16xi1>
        %reduce_sum3A_236 = tpu.scan <sum>, %convert_element_type3A_225 masked %reduce_sum3A_235 : vector<16xi32>, vector<16xi1> -> vector<16xi32>
        %reduce_sum3A_237 = vector.extract %reduce_sum3A_236[15] : i32 from vector<16xi32>
        %add3A_238 = arith.addi %scan3A_205, %reduce_sum3A_237 : i32
        %eq3A_239 = arith.constant 1 : i32
        %eq3A_240 = vector.broadcast %eq3A_239 : i32 to vector<16xi32>
        %eq3A_241 = arith.cmpi eq, %get3A_215, %eq3A_240 : vector<16xi32>
        %convert_element_type3A_242 = arith.extui %eq3A_241 : vector<16xi1> to vector<16xi32>
        %broadcast_in_dim3A_243 = arith.constant true
        %broadcast_in_dim3A_244 = vector.broadcast %broadcast_in_dim3A_243 : i1 to vector<16xi1>
        %masked_cumsum3A_245 = tpu.scan <sum>, %convert_element_type3A_242 masked %broadcast_in_dim3A_244 : vector<16xi32>, vector<16xi1> -> vector<16xi32>
        %add3A_246 = vector.broadcast %scan3A_206 : i32 to vector<16xi32>
        %add3A_247 = arith.addi %add3A_246, %masked_cumsum3A_245 : vector<16xi32>
        %sub3A_248 = arith.constant 1 : i32
        %sub3A_249 = vector.broadcast %sub3A_248 : i32 to vector<16xi32>
        %sub3A_250 = arith.subi %add3A_247, %sub3A_249 : vector<16xi32>
        %select_n3A_251 = arith.select %eq3A_241, %sub3A_250, %select_n3A_233 : vector<16xi1>, vector<16xi32>
        %reduce_sum3A_252 = arith.constant true
        %reduce_sum3A_253 = vector.broadcast %reduce_sum3A_252 : i1 to vector<16xi1>
        %reduce_sum3A_254 = tpu.scan <sum>, %convert_element_type3A_242 masked %reduce_sum3A_253 : vector<16xi32>, vector<16xi1> -> vector<16xi32>
        %reduce_sum3A_255 = vector.extract %reduce_sum3A_254[15] : i32 from vector<16xi32>
        %add3A_256 = arith.addi %scan3A_206, %reduce_sum3A_255 : i32
        %eq3A_257 = arith.constant 2 : i32
        %eq3A_258 = vector.broadcast %eq3A_257 : i32 to vector<16xi32>
        %eq3A_259 = arith.cmpi eq, %get3A_215, %eq3A_258 : vector<16xi32>
        %convert_element_type3A_260 = arith.extui %eq3A_259 : vector<16xi1> to vector<16xi32>
        %broadcast_in_dim3A_261 = arith.constant true
        %broadcast_in_dim3A_262 = vector.broadcast %broadcast_in_dim3A_261 : i1 to vector<16xi1>
        %masked_cumsum3A_263 = tpu.scan <sum>, %convert_element_type3A_260 masked %broadcast_in_dim3A_262 : vector<16xi32>, vector<16xi1> -> vector<16xi32>
        %add3A_264 = vector.broadcast %scan3A_207 : i32 to vector<16xi32>
        %add3A_265 = arith.addi %add3A_264, %masked_cumsum3A_263 : vector<16xi32>
        %sub3A_266 = arith.constant 1 : i32
        %sub3A_267 = vector.broadcast %sub3A_266 : i32 to vector<16xi32>
        %sub3A_268 = arith.subi %add3A_265, %sub3A_267 : vector<16xi32>
        %select_n3A_269 = arith.select %eq3A_259, %sub3A_268, %select_n3A_251 : vector<16xi1>, vector<16xi32>
        %reduce_sum3A_270 = arith.constant true
        %reduce_sum3A_271 = vector.broadcast %reduce_sum3A_270 : i1 to vector<16xi1>
        %reduce_sum3A_272 = tpu.scan <sum>, %convert_element_type3A_260 masked %reduce_sum3A_271 : vector<16xi32>, vector<16xi1> -> vector<16xi32>
        %reduce_sum3A_273 = vector.extract %reduce_sum3A_272[15] : i32 from vector<16xi32>
        %add3A_274 = arith.addi %scan3A_207, %reduce_sum3A_273 : i32
        %eq3A_275 = arith.constant 3 : i32
        %eq3A_276 = vector.broadcast %eq3A_275 : i32 to vector<16xi32>
        %eq3A_277 = arith.cmpi eq, %get3A_215, %eq3A_276 : vector<16xi32>
        %convert_element_type3A_278 = arith.extui %eq3A_277 : vector<16xi1> to vector<16xi32>
        %broadcast_in_dim3A_279 = arith.constant true
        %broadcast_in_dim3A_280 = vector.broadcast %broadcast_in_dim3A_279 : i1 to vector<16xi1>
        %masked_cumsum3A_281 = tpu.scan <sum>, %convert_element_type3A_278 masked %broadcast_in_dim3A_280 : vector<16xi32>, vector<16xi1> -> vector<16xi32>
        %add3A_282 = vector.broadcast %scan3A_208 : i32 to vector<16xi32>
        %add3A_283 = arith.addi %add3A_282, %masked_cumsum3A_281 : vector<16xi32>
        %sub3A_284 = arith.constant 1 : i32
        %sub3A_285 = vector.broadcast %sub3A_284 : i32 to vector<16xi32>
        %sub3A_286 = arith.subi %add3A_283, %sub3A_285 : vector<16xi32>
        %select_n3A_287 = arith.select %eq3A_277, %sub3A_286, %select_n3A_269 : vector<16xi1>, vector<16xi32>
        %reduce_sum3A_288 = arith.constant true
        %reduce_sum3A_289 = vector.broadcast %reduce_sum3A_288 : i1 to vector<16xi1>
        %reduce_sum3A_290 = tpu.scan <sum>, %convert_element_type3A_278 masked %reduce_sum3A_289 : vector<16xi32>, vector<16xi1> -> vector<16xi32>
        %reduce_sum3A_291 = vector.extract %reduce_sum3A_290[15] : i32 from vector<16xi32>
        %add3A_292 = arith.addi %scan3A_208, %reduce_sum3A_291 : i32
        %eq3A_293 = arith.constant 4 : i32
        %eq3A_294 = vector.broadcast %eq3A_293 : i32 to vector<16xi32>
        %eq3A_295 = arith.cmpi eq, %get3A_215, %eq3A_294 : vector<16xi32>
        %convert_element_type3A_296 = arith.extui %eq3A_295 : vector<16xi1> to vector<16xi32>
        %broadcast_in_dim3A_297 = arith.constant true
        %broadcast_in_dim3A_298 = vector.broadcast %broadcast_in_dim3A_297 : i1 to vector<16xi1>
        %masked_cumsum3A_299 = tpu.scan <sum>, %convert_element_type3A_296 masked %broadcast_in_dim3A_298 : vector<16xi32>, vector<16xi1> -> vector<16xi32>
        %add3A_300 = vector.broadcast %scan3A_209 : i32 to vector<16xi32>
        %add3A_301 = arith.addi %add3A_300, %masked_cumsum3A_299 : vector<16xi32>
        %sub3A_302 = arith.constant 1 : i32
        %sub3A_303 = vector.broadcast %sub3A_302 : i32 to vector<16xi32>
        %sub3A_304 = arith.subi %add3A_301, %sub3A_303 : vector<16xi32>
        %select_n3A_305 = arith.select %eq3A_295, %sub3A_304, %select_n3A_287 : vector<16xi1>, vector<16xi32>
        %reduce_sum3A_306 = arith.constant true
        %reduce_sum3A_307 = vector.broadcast %reduce_sum3A_306 : i1 to vector<16xi1>
        %reduce_sum3A_308 = tpu.scan <sum>, %convert_element_type3A_296 masked %reduce_sum3A_307 : vector<16xi32>, vector<16xi1> -> vector<16xi32>
        %reduce_sum3A_309 = vector.extract %reduce_sum3A_308[15] : i32 from vector<16xi32>
        %add3A_310 = arith.addi %scan3A_209, %reduce_sum3A_309 : i32
        %eq3A_311 = arith.constant 5 : i32
        %eq3A_312 = vector.broadcast %eq3A_311 : i32 to vector<16xi32>
        %eq3A_313 = arith.cmpi eq, %get3A_215, %eq3A_312 : vector<16xi32>
        %convert_element_type3A_314 = arith.extui %eq3A_313 : vector<16xi1> to vector<16xi32>
        %broadcast_in_dim3A_315 = arith.constant true
        %broadcast_in_dim3A_316 = vector.broadcast %broadcast_in_dim3A_315 : i1 to vector<16xi1>
        %masked_cumsum3A_317 = tpu.scan <sum>, %convert_element_type3A_314 masked %broadcast_in_dim3A_316 : vector<16xi32>, vector<16xi1> -> vector<16xi32>
        %add3A_318 = vector.broadcast %scan3A_210 : i32 to vector<16xi32>
        %add3A_319 = arith.addi %add3A_318, %masked_cumsum3A_317 : vector<16xi32>
        %sub3A_320 = arith.constant 1 : i32
        %sub3A_321 = vector.broadcast %sub3A_320 : i32 to vector<16xi32>
        %sub3A_322 = arith.subi %add3A_319, %sub3A_321 : vector<16xi32>
        %select_n3A_323 = arith.select %eq3A_313, %sub3A_322, %select_n3A_305 : vector<16xi1>, vector<16xi32>
        %reduce_sum3A_324 = arith.constant true
        %reduce_sum3A_325 = vector.broadcast %reduce_sum3A_324 : i1 to vector<16xi1>
        %reduce_sum3A_326 = tpu.scan <sum>, %convert_element_type3A_314 masked %reduce_sum3A_325 : vector<16xi32>, vector<16xi1> -> vector<16xi32>
        %reduce_sum3A_327 = vector.extract %reduce_sum3A_326[15] : i32 from vector<16xi32>
        %add3A_328 = arith.addi %scan3A_210, %reduce_sum3A_327 : i32
        %eq3A_329 = arith.constant 6 : i32
        %eq3A_330 = vector.broadcast %eq3A_329 : i32 to vector<16xi32>
        %eq3A_331 = arith.cmpi eq, %get3A_215, %eq3A_330 : vector<16xi32>
        %convert_element_type3A_332 = arith.extui %eq3A_331 : vector<16xi1> to vector<16xi32>
        %broadcast_in_dim3A_333 = arith.constant true
        %broadcast_in_dim3A_334 = vector.broadcast %broadcast_in_dim3A_333 : i1 to vector<16xi1>
        %masked_cumsum3A_335 = tpu.scan <sum>, %convert_element_type3A_332 masked %broadcast_in_dim3A_334 : vector<16xi32>, vector<16xi1> -> vector<16xi32>
        %add3A_336 = vector.broadcast %scan3A_211 : i32 to vector<16xi32>
        %add3A_337 = arith.addi %add3A_336, %masked_cumsum3A_335 : vector<16xi32>
        %sub3A_338 = arith.constant 1 : i32
        %sub3A_339 = vector.broadcast %sub3A_338 : i32 to vector<16xi32>
        %sub3A_340 = arith.subi %add3A_337, %sub3A_339 : vector<16xi32>
        %select_n3A_341 = arith.select %eq3A_331, %sub3A_340, %select_n3A_323 : vector<16xi1>, vector<16xi32>
        %reduce_sum3A_342 = arith.constant true
        %reduce_sum3A_343 = vector.broadcast %reduce_sum3A_342 : i1 to vector<16xi1>
        %reduce_sum3A_344 = tpu.scan <sum>, %convert_element_type3A_332 masked %reduce_sum3A_343 : vector<16xi32>, vector<16xi1> -> vector<16xi32>
        %reduce_sum3A_345 = vector.extract %reduce_sum3A_344[15] : i32 from vector<16xi32>
        %add3A_346 = arith.addi %scan3A_211, %reduce_sum3A_345 : i32
        %eq3A_347 = arith.constant 7 : i32
        %eq3A_348 = vector.broadcast %eq3A_347 : i32 to vector<16xi32>
        %eq3A_349 = arith.cmpi eq, %get3A_215, %eq3A_348 : vector<16xi32>
        %convert_element_type3A_350 = arith.extui %eq3A_349 : vector<16xi1> to vector<16xi32>
        %broadcast_in_dim3A_351 = arith.constant true
        %broadcast_in_dim3A_352 = vector.broadcast %broadcast_in_dim3A_351 : i1 to vector<16xi1>
        %masked_cumsum3A_353 = tpu.scan <sum>, %convert_element_type3A_350 masked %broadcast_in_dim3A_352 : vector<16xi32>, vector<16xi1> -> vector<16xi32>
        %add3A_354 = vector.broadcast %scan3A_212 : i32 to vector<16xi32>
        %add3A_355 = arith.addi %add3A_354, %masked_cumsum3A_353 : vector<16xi32>
        %sub3A_356 = arith.constant 1 : i32
        %sub3A_357 = vector.broadcast %sub3A_356 : i32 to vector<16xi32>
        %sub3A_358 = arith.subi %add3A_355, %sub3A_357 : vector<16xi32>
        %select_n3A_359 = arith.select %eq3A_349, %sub3A_358, %select_n3A_341 : vector<16xi1>, vector<16xi32>
        %reduce_sum3A_360 = arith.constant true
        %reduce_sum3A_361 = vector.broadcast %reduce_sum3A_360 : i1 to vector<16xi1>
        %reduce_sum3A_362 = tpu.scan <sum>, %convert_element_type3A_350 masked %reduce_sum3A_361 : vector<16xi32>, vector<16xi1> -> vector<16xi32>
        %reduce_sum3A_363 = vector.extract %reduce_sum3A_362[15] : i32 from vector<16xi32>
        %add3A_364 = arith.addi %scan3A_212, %reduce_sum3A_363 : i32
        %mul3A_365 = arith.constant 16 : i32
        %mul3A_366 = arith.muli %scan3A_204, %mul3A_365 : i32
        %iota3A_367 = tpu.iota {dimensions = array<i32: 0>} : vector<16xi32>
        %add3A_368 = vector.broadcast %mul3A_366 : i32 to vector<16xi32>
        %add3A_369 = arith.addi %add3A_368, %iota3A_367 : vector<16xi32>
        %and3A = arith.constant 2047 : i32
        %and3A_370 = vector.broadcast %and3A : i32 to vector<16xi32>
        %and3A_371 = arith.andi %add3A_369, %and3A_370 : vector<16xi32>
        tpu.vector_store_idx %arg12[%select_n3A_359], %and3A_371 : memref<6144xi32, #tpu.memory_space<vmem>>[vector<16xi32>], vector<16xi32>,
        tpu.vector_store_idx %arg13[%select_n3A_359], %get3A_219 : memref<6144xf32, #tpu.memory_space<vmem>>[vector<16xi32>], vector<16xf32>,
        %mul3A_372 = arith.constant 16 : i32
        %mul3A_373 = arith.muli %scan3A_204, %mul3A_372 : i32
        %swap3A_374 = arith.index_cast %mul3A_373 : i32 to index
        %swap3A_375 = tpu.vector_load %arg14[%swap3A_374] {strides = array<i32>} : memref<4096xi32, #tpu.memory_space<vmem>>, vector<16xi32>,
        tpu.vector_store %arg14[%swap3A_374], %select_n3A_359 {strides = array<i32>} : memref<4096xi32, #tpu.memory_space<vmem>>, vector<16xi32>,
        scf.yield %add3A_238, %add3A_256, %add3A_274, %add3A_292, %add3A_310, %add3A_328, %add3A_346, %add3A_364 : i32, i32, i32, i32, i32, i32, i32, i32
      }
      %scan3A_123 = arith.constant 256 : i32
      %iota3A = tpu.iota {dimensions = array<i32: 0>} : vector<16xi32>
      %add3A_124 = arith.constant 0 : i32
      %add3A_125 = vector.broadcast %add3A_124 : i32 to vector<16xi32>
      %add3A_126 = arith.addi %iota3A, %add3A_125 : vector<16xi32>
      %sub3A = arith.constant 1 : i32
      %sub3A_127 = arith.subi %add3A_93, %sub3A : i32
      %min3A = vector.broadcast %sub3A_127 : i32 to vector<16xi32>
      %min3A_128 = arith.minsi %add3A_126, %min3A : vector<16xi32>
      %broadcast_in_dim3A_129 = arith.constant 0 : i32
      %broadcast_in_dim3A_130 = vector.broadcast %broadcast_in_dim3A_129 : i32 to vector<16xi32>
      %ge3A = vector.broadcast %add3A_86 : i32 to vector<16xi32>
      %ge3A_131 = arith.cmpi sge, %min3A_128, %ge3A : vector<16xi32>
      %convert_element_type3A_132 = arith.extui %ge3A_131 : vector<16xi1> to vector<16xi32>
      %add3A_133 = arith.addi %broadcast_in_dim3A_130, %convert_element_type3A_132 : vector<16xi32>
      %ge3A_134 = vector.broadcast %add3A_87 : i32 to vector<16xi32>
      %ge3A_135 = arith.cmpi sge, %min3A_128, %ge3A_134 : vector<16xi32>
      %convert_element_type3A_136 = arith.extui %ge3A_135 : vector<16xi1> to vector<16xi32>
      %add3A_137 = arith.addi %add3A_133, %convert_element_type3A_136 : vector<16xi32>
      %ge3A_138 = vector.broadcast %add3A_88 : i32 to vector<16xi32>
      %ge3A_139 = arith.cmpi sge, %min3A_128, %ge3A_138 : vector<16xi32>
      %convert_element_type3A_140 = arith.extui %ge3A_139 : vector<16xi1> to vector<16xi32>
      %add3A_141 = arith.addi %add3A_137, %convert_element_type3A_140 : vector<16xi32>
      %ge3A_142 = vector.broadcast %add3A_89 : i32 to vector<16xi32>
      %ge3A_143 = arith.cmpi sge, %min3A_128, %ge3A_142 : vector<16xi32>
      %convert_element_type3A_144 = arith.extui %ge3A_143 : vector<16xi1> to vector<16xi32>
      %add3A_145 = arith.addi %add3A_141, %convert_element_type3A_144 : vector<16xi32>
      %ge3A_146 = vector.broadcast %add3A_90 : i32 to vector<16xi32>
      %ge3A_147 = arith.cmpi sge, %min3A_128, %ge3A_146 : vector<16xi32>
      %convert_element_type3A_148 = arith.extui %ge3A_147 : vector<16xi1> to vector<16xi32>
      %add3A_149 = arith.addi %add3A_145, %convert_element_type3A_148 : vector<16xi32>
      %ge3A_150 = vector.broadcast %add3A_91 : i32 to vector<16xi32>
      %ge3A_151 = arith.cmpi sge, %min3A_128, %ge3A_150 : vector<16xi32>
      %convert_element_type3A_152 = arith.extui %ge3A_151 : vector<16xi1> to vector<16xi32>
      %add3A_153 = arith.addi %add3A_149, %convert_element_type3A_152 : vector<16xi32>
      %ge3A_154 = vector.broadcast %add3A_92 : i32 to vector<16xi32>
      %ge3A_155 = arith.cmpi sge, %min3A_128, %ge3A_154 : vector<16xi32>
      %convert_element_type3A_156 = arith.extui %ge3A_155 : vector<16xi1> to vector<16xi32>
      %add3A_157 = arith.addi %add3A_153, %convert_element_type3A_156 : vector<16xi32>
      %swap3A = arith.constant 0 : index
      %swap3A_158 = tpu.vector_load %arg15[%swap3A] {strides = array<i32>} : memref<32xi32, #tpu.memory_space<vmem>>, vector<16xi32>,
      tpu.vector_store %arg15[%swap3A], %add3A_157 {strides = array<i32>} : memref<32xi32, #tpu.memory_space<vmem>>, vector<16xi32>,
      %iota3A_159 = tpu.iota {dimensions = array<i32: 0>} : vector<16xi32>
      %add3A_160 = arith.constant 16 : i32
      %add3A_161 = vector.broadcast %add3A_160 : i32 to vector<16xi32>
      %add3A_162 = arith.addi %iota3A_159, %add3A_161 : vector<16xi32>
      %sub3A_163 = arith.constant 1 : i32
      %sub3A_164 = arith.subi %add3A_93, %sub3A_163 : i32
      %min3A_165 = vector.broadcast %sub3A_164 : i32 to vector<16xi32>
      %min3A_166 = arith.minsi %add3A_162, %min3A_165 : vector<16xi32>
      %broadcast_in_dim3A_167 = arith.constant 0 : i32
      %broadcast_in_dim3A_168 = vector.broadcast %broadcast_in_dim3A_167 : i32 to vector<16xi32>
      %ge3A_169 = vector.broadcast %add3A_86 : i32 to vector<16xi32>
      %ge3A_170 = arith.cmpi sge, %min3A_166, %ge3A_169 : vector<16xi32>
      %convert_element_type3A_171 = arith.extui %ge3A_170 : vector<16xi1> to vector<16xi32>
      %add3A_172 = arith.addi %broadcast_in_dim3A_168, %convert_element_type3A_171 : vector<16xi32>
      %ge3A_173 = vector.broadcast %add3A_87 : i32 to vector<16xi32>
      %ge3A_174 = arith.cmpi sge, %min3A_166, %ge3A_173 : vector<16xi32>
      %convert_element_type3A_175 = arith.extui %ge3A_174 : vector<16xi1> to vector<16xi32>
      %add3A_176 = arith.addi %add3A_172, %convert_element_type3A_175 : vector<16xi32>
      %ge3A_177 = vector.broadcast %add3A_88 : i32 to vector<16xi32>
      %ge3A_178 = arith.cmpi sge, %min3A_166, %ge3A_177 : vector<16xi32>
      %convert_element_type3A_179 = arith.extui %ge3A_178 : vector<16xi1> to vector<16xi32>
      %add3A_180 = arith.addi %add3A_176, %convert_element_type3A_179 : vector<16xi32>
      %ge3A_181 = vector.broadcast %add3A_89 : i32 to vector<16xi32>
      %ge3A_182 = arith.cmpi sge, %min3A_166, %ge3A_181 : vector<16xi32>
      %convert_element_type3A_183 = arith.extui %ge3A_182 : vector<16xi1> to vector<16xi32>
      %add3A_184 = arith.addi %add3A_180, %convert_element_type3A_183 : vector<16xi32>
      %ge3A_185 = vector.broadcast %add3A_90 : i32 to vector<16xi32>
      %ge3A_186 = arith.cmpi sge, %min3A_166, %ge3A_185 : vector<16xi32>
      %convert_element_type3A_187 = arith.extui %ge3A_186 : vector<16xi1> to vector<16xi32>
      %add3A_188 = arith.addi %add3A_184, %convert_element_type3A_187 : vector<16xi32>
      %ge3A_189 = vector.broadcast %add3A_91 : i32 to vector<16xi32>
      %ge3A_190 = arith.cmpi sge, %min3A_166, %ge3A_189 : vector<16xi32>
      %convert_element_type3A_191 = arith.extui %ge3A_190 : vector<16xi1> to vector<16xi32>
      %add3A_192 = arith.addi %add3A_188, %convert_element_type3A_191 : vector<16xi32>
      %ge3A_193 = vector.broadcast %add3A_92 : i32 to vector<16xi32>
      %ge3A_194 = arith.cmpi sge, %min3A_166, %ge3A_193 : vector<16xi32>
      %convert_element_type3A_195 = arith.extui %ge3A_194 : vector<16xi1> to vector<16xi32>
      %add3A_196 = arith.addi %add3A_192, %convert_element_type3A_195 : vector<16xi32>
      %iota3A_197 = tpu.iota {dimensions = array<i32: 0>} : vector<16xi32>
      %eq3A_198 = arith.constant 15 : i32
      %eq3A_199 = vector.broadcast %eq3A_198 : i32 to vector<16xi32>
      %eq3A_200 = arith.cmpi eq, %iota3A_197, %eq3A_199 : vector<16xi32>
      %broadcast_in_dim3A_201 = vector.broadcast %add3A_93 : i32 to vector<16xi32>
      %select_n3A = arith.select %eq3A_200, %broadcast_in_dim3A_201, %add3A_196 : vector<16xi1>, vector<16xi32>
      %swap3A_202 = arith.constant 16 : index
      %swap3A_203 = tpu.vector_load %arg15[%swap3A_202] {strides = array<i32>} : memref<32xi32, #tpu.memory_space<vmem>>, vector<16xi32>,
      tpu.vector_store %arg15[%swap3A_202], %select_n3A {strides = array<i32>} : memref<32xi32, #tpu.memory_space<vmem>>, vector<16xi32>,
      "tpu.region"() ({
        %run_scoped3A = tpu.sem_alloc : memref<!tpu.dma_semaphore, #tpu.memory_space<semaphore_mem>>
        tpu.enqueue_dma source(%arg15 : memref<32xi32, #tpu.memory_space<vmem>>) target(%arg6 : memref<32xi32, #tpu.memory_space<hbm>>) target_semaphore(%run_scoped3A : memref<!tpu.dma_semaphore, #tpu.memory_space<semaphore_mem>>)
        tpu.wait_dma2 semaphore(%run_scoped3A : memref<!tpu.dma_semaphore, #tpu.memory_space<semaphore_mem>>) src(%arg15 : memref<32xi32, #tpu.memory_space<vmem>>) dst(%arg6 : memref<32xi32, #tpu.memory_space<hbm>>)
        tpu.yield
      }) : () -> ()
      "tpu.region"() ({
        %run_scoped3A = tpu.sem_alloc : memref<!tpu.dma_semaphore, #tpu.memory_space<semaphore_mem>>
        tpu.enqueue_dma source(%arg12 : memref<6144xi32, #tpu.memory_space<vmem>>) target(%arg7 : memref<6144xi32, #tpu.memory_space<hbm>>) target_semaphore(%run_scoped3A : memref<!tpu.dma_semaphore, #tpu.memory_space<semaphore_mem>>)
        tpu.wait_dma2 semaphore(%run_scoped3A : memref<!tpu.dma_semaphore, #tpu.memory_space<semaphore_mem>>) src(%arg12 : memref<6144xi32, #tpu.memory_space<vmem>>) dst(%arg7 : memref<6144xi32, #tpu.memory_space<hbm>>)
        tpu.yield
      }) : () -> ()
      "tpu.region"() ({
        %run_scoped3A = tpu.sem_alloc : memref<!tpu.dma_semaphore, #tpu.memory_space<semaphore_mem>>
        tpu.enqueue_dma source(%arg13 : memref<6144xf32, #tpu.memory_space<vmem>>) target(%arg8 : memref<6144xf32, #tpu.memory_space<hbm>>) target_semaphore(%run_scoped3A : memref<!tpu.dma_semaphore, #tpu.memory_space<semaphore_mem>>)
        tpu.wait_dma2 semaphore(%run_scoped3A : memref<!tpu.dma_semaphore, #tpu.memory_space<semaphore_mem>>) src(%arg13 : memref<6144xf32, #tpu.memory_space<vmem>>) dst(%arg8 : memref<6144xf32, #tpu.memory_space<hbm>>)
        tpu.yield
      }) : () -> ()
      "tpu.region"() ({
        %run_scoped3A = tpu.sem_alloc : memref<!tpu.dma_semaphore, #tpu.memory_space<semaphore_mem>>
        tpu.enqueue_dma source(%arg14 : memref<4096xi32, #tpu.memory_space<vmem>>) target(%arg9 : memref<4096xi32, #tpu.memory_space<hbm>>) target_semaphore(%run_scoped3A : memref<!tpu.dma_semaphore, #tpu.memory_space<semaphore_mem>>)
        tpu.wait_dma2 semaphore(%run_scoped3A : memref<!tpu.dma_semaphore, #tpu.memory_space<semaphore_mem>>) src(%arg14 : memref<4096xi32, #tpu.memory_space<vmem>>) dst(%arg9 : memref<4096xi32, #tpu.memory_space<hbm>>)
        tpu.yield
      }) : () -> ()
    } else {
    }
    return
  }
}

#map = affine_map<(d0, d1) -> (0, 0)>
#map1 = affine_map<(d0, d1) -> (0)>
module attributes {stable_mosaic.version = 14 : i64} {
  func.func @_merge(%arg0: i32, %arg1: i32, %arg2: memref<6144x512xi32, #tpu.memory_space<hbm>>, %arg3: memref<4096xi32, #tpu.memory_space<hbm>>, %arg4: memref<2048x1024xf32, #tpu.memory_space<hbm>>, %arg5: memref<64xi32, #tpu.memory_space<vmem>>, %arg6: memref<64xi32, #tpu.memory_space<vmem>>, %arg7: memref<16x512xi32, #tpu.memory_space<vmem>>, %arg8: memref<16x512xi32, #tpu.memory_space<vmem>>, %arg9: memref<16x512xi32, #tpu.memory_space<vmem>>, %arg10: memref<16x512xi32, #tpu.memory_space<vmem>>, %arg11: memref<16x1024xf32, #tpu.memory_space<vmem>>, %arg12: memref<16x1024xf32, #tpu.memory_space<vmem>>, %arg13: memref<!tpu.dma_semaphore, #tpu.memory_space<semaphore_mem>>, %arg14: memref<!tpu.dma_semaphore, #tpu.memory_space<semaphore_mem>>, %arg15: memref<!tpu.dma_semaphore, #tpu.memory_space<semaphore_mem>>, %arg16: memref<!tpu.dma_semaphore, #tpu.memory_space<semaphore_mem>>, %arg17: memref<!tpu.dma_semaphore, #tpu.memory_space<semaphore_mem>>, %arg18: memref<!tpu.dma_semaphore, #tpu.memory_space<semaphore_mem>>) attributes {dimension_semantics = [#tpu.dimension_semantics<core_parallel>, #tpu.dimension_semantics<subcore_parallel>], iteration_bounds = array<i64: 2, 16>, scalar_prefetch = 0 : i64, scratch_operands = 14 : i64, tpu.core_type = #tpu.core_type<sc_vector_subcore>, window_params = [{transform_indices = #map}, {transform_indices = #map1}, {transform_indices = #map}]} {
    %mul3A = arith.constant 2 : i32
    %mul3A_0 = arith.muli %arg1, %mul3A : i32
    %add3A = arith.addi %mul3A_0, %arg0 : i32
    %mul3A_1 = arith.constant 64 : i32
    %mul3A_2 = arith.muli %add3A, %mul3A_1 : i32
    "tpu.region"() ({
      %run_scoped3A = tpu.sem_alloc : memref<!tpu.dma_semaphore, #tpu.memory_space<semaphore_mem>>
      %dma_start3A_150 = tpu.memref_slice %arg3[%mul3A_2] : memref<4096xi32, #tpu.memory_space<hbm>> -> memref<64xi32, #tpu.memory_space<hbm>>
      %dma_start3A_151 = tpu.memref_slice %arg3[%mul3A_2] : memref<4096xi32, #tpu.memory_space<hbm>> -> memref<64xi32, #tpu.memory_space<hbm>>
      tpu.enqueue_dma source(%dma_start3A_151 : memref<64xi32, #tpu.memory_space<hbm>>) target(%arg5 : memref<64xi32, #tpu.memory_space<vmem>>) target_semaphore(%run_scoped3A : memref<!tpu.dma_semaphore, #tpu.memory_space<semaphore_mem>>)
      %dma_wait3A_152 = tpu.memref_slice %arg3[%mul3A_2] : memref<4096xi32, #tpu.memory_space<hbm>> -> memref<64xi32, #tpu.memory_space<hbm>>
      %dma_wait3A_153 = tpu.memref_slice %arg3[%mul3A_2] : memref<4096xi32, #tpu.memory_space<hbm>> -> memref<64xi32, #tpu.memory_space<hbm>>
      tpu.wait_dma2 semaphore(%run_scoped3A : memref<!tpu.dma_semaphore, #tpu.memory_space<semaphore_mem>>) src(%dma_wait3A_153 : memref<64xi32, #tpu.memory_space<hbm>>) dst(%arg5 : memref<64xi32, #tpu.memory_space<vmem>>)
      tpu.yield
    }) : () -> ()
    %add3A_3 = arith.constant 2048 : i32
    %add3A_4 = arith.addi %add3A_3, %mul3A_2 : i32
    "tpu.region"() ({
      %run_scoped3A = tpu.sem_alloc : memref<!tpu.dma_semaphore, #tpu.memory_space<semaphore_mem>>
      %dma_start3A_150 = tpu.memref_slice %arg3[%add3A_4] : memref<4096xi32, #tpu.memory_space<hbm>> -> memref<64xi32, #tpu.memory_space<hbm>>
      %dma_start3A_151 = tpu.memref_slice %arg3[%add3A_4] : memref<4096xi32, #tpu.memory_space<hbm>> -> memref<64xi32, #tpu.memory_space<hbm>>
      tpu.enqueue_dma source(%dma_start3A_151 : memref<64xi32, #tpu.memory_space<hbm>>) target(%arg6 : memref<64xi32, #tpu.memory_space<vmem>>) target_semaphore(%run_scoped3A : memref<!tpu.dma_semaphore, #tpu.memory_space<semaphore_mem>>)
      %dma_wait3A_152 = tpu.memref_slice %arg3[%add3A_4] : memref<4096xi32, #tpu.memory_space<hbm>> -> memref<64xi32, #tpu.memory_space<hbm>>
      %dma_wait3A_153 = tpu.memref_slice %arg3[%add3A_4] : memref<4096xi32, #tpu.memory_space<hbm>> -> memref<64xi32, #tpu.memory_space<hbm>>
      tpu.wait_dma2 semaphore(%run_scoped3A : memref<!tpu.dma_semaphore, #tpu.memory_space<semaphore_mem>>) src(%dma_wait3A_153 : memref<64xi32, #tpu.memory_space<hbm>>) dst(%arg6 : memref<64xi32, #tpu.memory_space<vmem>>)
      tpu.yield
    }) : () -> ()
    %dma_start3A = arith.constant 0 : i32
    %dma_start3A_5 = tpu.memref_slice %arg5[%dma_start3A] : memref<64xi32, #tpu.memory_space<vmem>> -> memref<16xi32, #tpu.memory_space<vmem>>
    %dma_start3A_6 = arith.constant 0 : i32
    %dma_start3A_7 = arith.constant 0 : i32
    %dma_start3A_8 = tpu.memref_slice %arg2[%dma_start3A_6, %dma_start3A_7] : memref<6144x512xi32, #tpu.memory_space<hbm>> -> memref<6144x512xi32, #tpu.memory_space<hbm>>
    tpu.enqueue_indirect_dma source(%dma_start3A_8 : memref<6144x512xi32, #tpu.memory_space<hbm>>) target(%arg7 : memref<16x512xi32, #tpu.memory_space<vmem>>) offsets(%dma_start3A_5 : memref<16xi32, #tpu.memory_space<vmem>>) semaphore(%arg13 : memref<!tpu.dma_semaphore, #tpu.memory_space<semaphore_mem>>)
    %dma_start3A_9 = arith.constant 0 : i32
    %dma_start3A_10 = tpu.memref_slice %arg6[%dma_start3A_9] : memref<64xi32, #tpu.memory_space<vmem>> -> memref<16xi32, #tpu.memory_space<vmem>>
    %dma_start3A_11 = arith.constant 0 : i32
    %dma_start3A_12 = arith.constant 0 : i32
    %dma_start3A_13 = tpu.memref_slice %arg2[%dma_start3A_11, %dma_start3A_12] : memref<6144x512xi32, #tpu.memory_space<hbm>> -> memref<6144x512xi32, #tpu.memory_space<hbm>>
    tpu.enqueue_indirect_dma source(%dma_start3A_13 : memref<6144x512xi32, #tpu.memory_space<hbm>>) target(%arg9 : memref<16x512xi32, #tpu.memory_space<vmem>>) offsets(%dma_start3A_10 : memref<16xi32, #tpu.memory_space<vmem>>) semaphore(%arg15 : memref<!tpu.dma_semaphore, #tpu.memory_space<semaphore_mem>>)
    %dma_start3A_14 = arith.constant 16 : i32
    %dma_start3A_15 = tpu.memref_slice %arg5[%dma_start3A_14] : memref<64xi32, #tpu.memory_space<vmem>> -> memref<16xi32, #tpu.memory_space<vmem>>
    %dma_start3A_16 = arith.constant 0 : i32
    %dma_start3A_17 = arith.constant 0 : i32
    %dma_start3A_18 = tpu.memref_slice %arg2[%dma_start3A_16, %dma_start3A_17] : memref<6144x512xi32, #tpu.memory_space<hbm>> -> memref<6144x512xi32, #tpu.memory_space<hbm>>
    tpu.enqueue_indirect_dma source(%dma_start3A_18 : memref<6144x512xi32, #tpu.memory_space<hbm>>) target(%arg8 : memref<16x512xi32, #tpu.memory_space<vmem>>) offsets(%dma_start3A_15 : memref<16xi32, #tpu.memory_space<vmem>>) semaphore(%arg14 : memref<!tpu.dma_semaphore, #tpu.memory_space<semaphore_mem>>)
    %dma_start3A_19 = arith.constant 16 : i32
    %dma_start3A_20 = tpu.memref_slice %arg6[%dma_start3A_19] : memref<64xi32, #tpu.memory_space<vmem>> -> memref<16xi32, #tpu.memory_space<vmem>>
    %dma_start3A_21 = arith.constant 0 : i32
    %dma_start3A_22 = arith.constant 0 : i32
    %dma_start3A_23 = tpu.memref_slice %arg2[%dma_start3A_21, %dma_start3A_22] : memref<6144x512xi32, #tpu.memory_space<hbm>> -> memref<6144x512xi32, #tpu.memory_space<hbm>>
    tpu.enqueue_indirect_dma source(%dma_start3A_23 : memref<6144x512xi32, #tpu.memory_space<hbm>>) target(%arg10 : memref<16x512xi32, #tpu.memory_space<vmem>>) offsets(%dma_start3A_20 : memref<16xi32, #tpu.memory_space<vmem>>) semaphore(%arg16 : memref<!tpu.dma_semaphore, #tpu.memory_space<semaphore_mem>>)
    %dma_wait3A = arith.constant 0 : i32
    %dma_wait3A_24 = tpu.memref_slice %arg5[%dma_wait3A] : memref<64xi32, #tpu.memory_space<vmem>> -> memref<16xi32, #tpu.memory_space<vmem>>
    %dma_wait3A_25 = arith.constant 0 : i32
    %dma_wait3A_26 = arith.constant 0 : i32
    %dma_wait3A_27 = tpu.memref_slice %arg2[%dma_wait3A_25, %dma_wait3A_26] : memref<6144x512xi32, #tpu.memory_space<hbm>> -> memref<6144x512xi32, #tpu.memory_space<hbm>>
    tpu.wait_indirect_dma semaphore(%arg13 : memref<!tpu.dma_semaphore, #tpu.memory_space<semaphore_mem>>) src(%dma_wait3A_27 : memref<6144x512xi32, #tpu.memory_space<hbm>>) dst(%arg7 : memref<16x512xi32, #tpu.memory_space<vmem>>)
    %dma_wait3A_28 = arith.constant 0 : i32
    %dma_wait3A_29 = tpu.memref_slice %arg6[%dma_wait3A_28] : memref<64xi32, #tpu.memory_space<vmem>> -> memref<16xi32, #tpu.memory_space<vmem>>
    %dma_wait3A_30 = arith.constant 0 : i32
    %dma_wait3A_31 = arith.constant 0 : i32
    %dma_wait3A_32 = tpu.memref_slice %arg2[%dma_wait3A_30, %dma_wait3A_31] : memref<6144x512xi32, #tpu.memory_space<hbm>> -> memref<6144x512xi32, #tpu.memory_space<hbm>>
    tpu.wait_indirect_dma semaphore(%arg15 : memref<!tpu.dma_semaphore, #tpu.memory_space<semaphore_mem>>) src(%dma_wait3A_32 : memref<6144x512xi32, #tpu.memory_space<hbm>>) dst(%arg9 : memref<16x512xi32, #tpu.memory_space<vmem>>)
    %scan3A = arith.constant 0 : i32
    %scan3A_33 = arith.constant 0 : i32
    %scan3A_34 = arith.constant 512 : i32
    %scan3A_35 = arith.addi %scan3A_33, %scan3A_34 : i32
    %scan3A_36 = arith.constant 1 : i32
    %scan3A_37 = scf.for %scan3A_150 = %scan3A_33 to %scan3A_35 step %scan3A_36 iter_args(%scan3A_151 = %scan3A) -> (i32)  : i32 {
      %shift_right_arithmetic3A = arith.constant 5 : i32
      %shift_right_arithmetic3A_152 = arith.shrsi %scan3A_150, %shift_right_arithmetic3A : i32
      %and3A = arith.constant 31 : i32
      %and3A_153 = arith.andi %scan3A_150, %and3A : i32
      %mul3A_154 = arith.constant 16 : i32
      %mul3A_155 = arith.muli %and3A_153, %mul3A_154 : i32
      %get3A = arith.index_cast %shift_right_arithmetic3A_152 : i32 to index
      %get3A_156 = arith.index_cast %mul3A_155 : i32 to index
      %get3A_157 = tpu.vector_load %arg7[%get3A, %get3A_156] {strides = array<i32>} : memref<16x512xi32, #tpu.memory_space<vmem>>, vector<16xi32>,
      %get3A_158 = arith.index_cast %shift_right_arithmetic3A_152 : i32 to index
      %get3A_159 = arith.index_cast %mul3A_155 : i32 to index
      %get3A_160 = tpu.vector_load %arg9[%get3A_158, %get3A_159] {strides = array<i32>} : memref<16x512xi32, #tpu.memory_space<vmem>>, vector<16xi32>,
      %shift_left3A = arith.constant 16 : i32
      %shift_left3A_161 = vector.broadcast %shift_left3A : i32 to vector<16xi32>
      %shift_left3A_162 = arith.shli %get3A_157, %shift_left3A_161 : vector<16xi32>
      %bitcast3A = vector.bitcast %shift_left3A_162 : vector<16xi32> to vector<16xf32>
      %shift_left3A_163 = arith.constant 16 : i32
      %shift_left3A_164 = vector.broadcast %shift_left3A_163 : i32 to vector<16xi32>
      %shift_left3A_165 = arith.shli %get3A_160, %shift_left3A_164 : vector<16xi32>
      %bitcast3A_166 = vector.bitcast %shift_left3A_165 : vector<16xi32> to vector<16xf32>
      %add3A_167 = arith.addf %bitcast3A, %bitcast3A_166 : vector<16xf32>
      %and3A_168 = arith.constant -65536 : i32
      %and3A_169 = vector.broadcast %and3A_168 : i32 to vector<16xi32>
      %and3A_170 = arith.andi %get3A_157, %and3A_169 : vector<16xi32>
      %bitcast3A_171 = vector.bitcast %and3A_170 : vector<16xi32> to vector<16xf32>
      %and3A_172 = arith.constant -65536 : i32
      %and3A_173 = vector.broadcast %and3A_172 : i32 to vector<16xi32>
      %and3A_174 = arith.andi %get3A_160, %and3A_173 : vector<16xi32>
      %bitcast3A_175 = vector.bitcast %and3A_174 : vector<16xi32> to vector<16xf32>
      %add3A_176 = arith.addf %bitcast3A_171, %bitcast3A_175 : vector<16xf32>
      %swap3A = arith.index_cast %shift_right_arithmetic3A_152 : i32 to index
      %swap3A_177 = arith.index_cast %mul3A_155 : i32 to index
      %swap3A_178 = tpu.vector_load %arg11[%swap3A, %swap3A_177] {strides = array<i32>} : memref<16x1024xf32, #tpu.memory_space<vmem>>, vector<16xf32>,
      tpu.vector_store %arg11[%swap3A, %swap3A_177], %add3A_167 {strides = array<i32>} : memref<16x1024xf32, #tpu.memory_space<vmem>>, vector<16xf32>,
      %add3A_179 = arith.constant 512 : i32
      %add3A_180 = arith.addi %add3A_179, %mul3A_155 : i32
      %swap3A_181 = arith.index_cast %shift_right_arithmetic3A_152 : i32 to index
      %swap3A_182 = arith.index_cast %add3A_180 : i32 to index
      %swap3A_183 = tpu.vector_load %arg11[%swap3A_181, %swap3A_182] {strides = array<i32>} : memref<16x1024xf32, #tpu.memory_space<vmem>>, vector<16xf32>,
      tpu.vector_store %arg11[%swap3A_181, %swap3A_182], %add3A_176 {strides = array<i32>} : memref<16x1024xf32, #tpu.memory_space<vmem>>, vector<16xf32>,
      %scan3A_184 = arith.constant 0 : i32
      scf.yield %scan3A_184 : i32
    }
    %scan3A_38 = arith.constant 512 : i32
    %add3A_39 = arith.constant 0 : i32
    %add3A_40 = arith.addi %mul3A_2, %add3A_39 : i32
    %dma_start3A_41 = arith.constant 0 : i32
    %dma_start3A_42 = tpu.memref_slice %arg4[%add3A_40, %dma_start3A_41] : memref<2048x1024xf32, #tpu.memory_space<hbm>> -> memref<16x1024xf32, #tpu.memory_space<hbm>>
    %dma_start3A_43 = arith.constant 0 : i32
    %dma_start3A_44 = tpu.memref_slice %arg4[%add3A_40, %dma_start3A_43] : memref<2048x1024xf32, #tpu.memory_space<hbm>> -> memref<16x1024xf32, #tpu.memory_space<hbm>>
    tpu.enqueue_dma source(%arg11 : memref<16x1024xf32, #tpu.memory_space<vmem>>) target(%dma_start3A_44 : memref<16x1024xf32, #tpu.memory_space<hbm>>) target_semaphore(%arg17 : memref<!tpu.dma_semaphore, #tpu.memory_space<semaphore_mem>>)
    %dma_start3A_45 = arith.constant 32 : i32
    %dma_start3A_46 = tpu.memref_slice %arg5[%dma_start3A_45] : memref<64xi32, #tpu.memory_space<vmem>> -> memref<16xi32, #tpu.memory_space<vmem>>
    %dma_start3A_47 = arith.constant 0 : i32
    %dma_start3A_48 = arith.constant 0 : i32
    %dma_start3A_49 = tpu.memref_slice %arg2[%dma_start3A_47, %dma_start3A_48] : memref<6144x512xi32, #tpu.memory_space<hbm>> -> memref<6144x512xi32, #tpu.memory_space<hbm>>
    tpu.enqueue_indirect_dma source(%dma_start3A_49 : memref<6144x512xi32, #tpu.memory_space<hbm>>) target(%arg7 : memref<16x512xi32, #tpu.memory_space<vmem>>) offsets(%dma_start3A_46 : memref<16xi32, #tpu.memory_space<vmem>>) semaphore(%arg13 : memref<!tpu.dma_semaphore, #tpu.memory_space<semaphore_mem>>)
    %dma_start3A_50 = arith.constant 32 : i32
    %dma_start3A_51 = tpu.memref_slice %arg6[%dma_start3A_50] : memref<64xi32, #tpu.memory_space<vmem>> -> memref<16xi32, #tpu.memory_space<vmem>>
    %dma_start3A_52 = arith.constant 0 : i32
    %dma_start3A_53 = arith.constant 0 : i32
    %dma_start3A_54 = tpu.memref_slice %arg2[%dma_start3A_52, %dma_start3A_53] : memref<6144x512xi32, #tpu.memory_space<hbm>> -> memref<6144x512xi32, #tpu.memory_space<hbm>>
    tpu.enqueue_indirect_dma source(%dma_start3A_54 : memref<6144x512xi32, #tpu.memory_space<hbm>>) target(%arg9 : memref<16x512xi32, #tpu.memory_space<vmem>>) offsets(%dma_start3A_51 : memref<16xi32, #tpu.memory_space<vmem>>) semaphore(%arg15 : memref<!tpu.dma_semaphore, #tpu.memory_space<semaphore_mem>>)
    %dma_wait3A_55 = arith.constant 16 : i32
    %dma_wait3A_56 = tpu.memref_slice %arg5[%dma_wait3A_55] : memref<64xi32, #tpu.memory_space<vmem>> -> memref<16xi32, #tpu.memory_space<vmem>>
    %dma_wait3A_57 = arith.constant 0 : i32
    %dma_wait3A_58 = arith.constant 0 : i32
    %dma_wait3A_59 = tpu.memref_slice %arg2[%dma_wait3A_57, %dma_wait3A_58] : memref<6144x512xi32, #tpu.memory_space<hbm>> -> memref<6144x512xi32, #tpu.memory_space<hbm>>
    tpu.wait_indirect_dma semaphore(%arg14 : memref<!tpu.dma_semaphore, #tpu.memory_space<semaphore_mem>>) src(%dma_wait3A_59 : memref<6144x512xi32, #tpu.memory_space<hbm>>) dst(%arg8 : memref<16x512xi32, #tpu.memory_space<vmem>>)
    %dma_wait3A_60 = arith.constant 16 : i32
    %dma_wait3A_61 = tpu.memref_slice %arg6[%dma_wait3A_60] : memref<64xi32, #tpu.memory_space<vmem>> -> memref<16xi32, #tpu.memory_space<vmem>>
    %dma_wait3A_62 = arith.constant 0 : i32
    %dma_wait3A_63 = arith.constant 0 : i32
    %dma_wait3A_64 = tpu.memref_slice %arg2[%dma_wait3A_62, %dma_wait3A_63] : memref<6144x512xi32, #tpu.memory_space<hbm>> -> memref<6144x512xi32, #tpu.memory_space<hbm>>
    tpu.wait_indirect_dma semaphore(%arg16 : memref<!tpu.dma_semaphore, #tpu.memory_space<semaphore_mem>>) src(%dma_wait3A_64 : memref<6144x512xi32, #tpu.memory_space<hbm>>) dst(%arg10 : memref<16x512xi32, #tpu.memory_space<vmem>>)
    %scan3A_65 = arith.constant 0 : i32
    %scan3A_66 = arith.constant 0 : i32
    %scan3A_67 = arith.constant 512 : i32
    %scan3A_68 = arith.addi %scan3A_66, %scan3A_67 : i32
    %scan3A_69 = arith.constant 1 : i32
    %scan3A_70 = scf.for %scan3A_150 = %scan3A_66 to %scan3A_68 step %scan3A_69 iter_args(%scan3A_151 = %scan3A_65) -> (i32)  : i32 {
      %shift_right_arithmetic3A = arith.constant 5 : i32
      %shift_right_arithmetic3A_152 = arith.shrsi %scan3A_150, %shift_right_arithmetic3A : i32
      %and3A = arith.constant 31 : i32
      %and3A_153 = arith.andi %scan3A_150, %and3A : i32
      %mul3A_154 = arith.constant 16 : i32
      %mul3A_155 = arith.muli %and3A_153, %mul3A_154 : i32
      %get3A = arith.index_cast %shift_right_arithmetic3A_152 : i32 to index
      %get3A_156 = arith.index_cast %mul3A_155 : i32 to index
      %get3A_157 = tpu.vector_load %arg8[%get3A, %get3A_156] {strides = array<i32>} : memref<16x512xi32, #tpu.memory_space<vmem>>, vector<16xi32>,
      %get3A_158 = arith.index_cast %shift_right_arithmetic3A_152 : i32 to index
      %get3A_159 = arith.index_cast %mul3A_155 : i32 to index
      %get3A_160 = tpu.vector_load %arg10[%get3A_158, %get3A_159] {strides = array<i32>} : memref<16x512xi32, #tpu.memory_space<vmem>>, vector<16xi32>,
      %shift_left3A = arith.constant 16 : i32
      %shift_left3A_161 = vector.broadcast %shift_left3A : i32 to vector<16xi32>
      %shift_left3A_162 = arith.shli %get3A_157, %shift_left3A_161 : vector<16xi32>
      %bitcast3A = vector.bitcast %shift_left3A_162 : vector<16xi32> to vector<16xf32>
      %shift_left3A_163 = arith.constant 16 : i32
      %shift_left3A_164 = vector.broadcast %shift_left3A_163 : i32 to vector<16xi32>
      %shift_left3A_165 = arith.shli %get3A_160, %shift_left3A_164 : vector<16xi32>
      %bitcast3A_166 = vector.bitcast %shift_left3A_165 : vector<16xi32> to vector<16xf32>
      %add3A_167 = arith.addf %bitcast3A, %bitcast3A_166 : vector<16xf32>
      %and3A_168 = arith.constant -65536 : i32
      %and3A_169 = vector.broadcast %and3A_168 : i32 to vector<16xi32>
      %and3A_170 = arith.andi %get3A_157, %and3A_169 : vector<16xi32>
      %bitcast3A_171 = vector.bitcast %and3A_170 : vector<16xi32> to vector<16xf32>
      %and3A_172 = arith.constant -65536 : i32
      %and3A_173 = vector.broadcast %and3A_172 : i32 to vector<16xi32>
      %and3A_174 = arith.andi %get3A_160, %and3A_173 : vector<16xi32>
      %bitcast3A_175 = vector.bitcast %and3A_174 : vector<16xi32> to vector<16xf32>
      %add3A_176 = arith.addf %bitcast3A_171, %bitcast3A_175 : vector<16xf32>
      %swap3A = arith.index_cast %shift_right_arithmetic3A_152 : i32 to index
      %swap3A_177 = arith.index_cast %mul3A_155 : i32 to index
      %swap3A_178 = tpu.vector_load %arg12[%swap3A, %swap3A_177] {strides = array<i32>} : memref<16x1024xf32, #tpu.memory_space<vmem>>, vector<16xf32>,
      tpu.vector_store %arg12[%swap3A, %swap3A_177], %add3A_167 {strides = array<i32>} : memref<16x1024xf32, #tpu.memory_space<vmem>>, vector<16xf32>,
      %add3A_179 = arith.constant 512 : i32
      %add3A_180 = arith.addi %add3A_179, %mul3A_155 : i32
      %swap3A_181 = arith.index_cast %shift_right_arithmetic3A_152 : i32 to index
      %swap3A_182 = arith.index_cast %add3A_180 : i32 to index
      %swap3A_183 = tpu.vector_load %arg12[%swap3A_181, %swap3A_182] {strides = array<i32>} : memref<16x1024xf32, #tpu.memory_space<vmem>>, vector<16xf32>,
      tpu.vector_store %arg12[%swap3A_181, %swap3A_182], %add3A_176 {strides = array<i32>} : memref<16x1024xf32, #tpu.memory_space<vmem>>, vector<16xf32>,
      %scan3A_184 = arith.constant 0 : i32
      scf.yield %scan3A_184 : i32
    }
    %scan3A_71 = arith.constant 512 : i32
    %add3A_72 = arith.constant 16 : i32
    %add3A_73 = arith.addi %mul3A_2, %add3A_72 : i32
    %dma_start3A_74 = arith.constant 0 : i32
    %dma_start3A_75 = tpu.memref_slice %arg4[%add3A_73, %dma_start3A_74] : memref<2048x1024xf32, #tpu.memory_space<hbm>> -> memref<16x1024xf32, #tpu.memory_space<hbm>>
    %dma_start3A_76 = arith.constant 0 : i32
    %dma_start3A_77 = tpu.memref_slice %arg4[%add3A_73, %dma_start3A_76] : memref<2048x1024xf32, #tpu.memory_space<hbm>> -> memref<16x1024xf32, #tpu.memory_space<hbm>>
    tpu.enqueue_dma source(%arg12 : memref<16x1024xf32, #tpu.memory_space<vmem>>) target(%dma_start3A_77 : memref<16x1024xf32, #tpu.memory_space<hbm>>) target_semaphore(%arg18 : memref<!tpu.dma_semaphore, #tpu.memory_space<semaphore_mem>>)
    %dma_start3A_78 = arith.constant 48 : i32
    %dma_start3A_79 = tpu.memref_slice %arg5[%dma_start3A_78] : memref<64xi32, #tpu.memory_space<vmem>> -> memref<16xi32, #tpu.memory_space<vmem>>
    %dma_start3A_80 = arith.constant 0 : i32
    %dma_start3A_81 = arith.constant 0 : i32
    %dma_start3A_82 = tpu.memref_slice %arg2[%dma_start3A_80, %dma_start3A_81] : memref<6144x512xi32, #tpu.memory_space<hbm>> -> memref<6144x512xi32, #tpu.memory_space<hbm>>
    tpu.enqueue_indirect_dma source(%dma_start3A_82 : memref<6144x512xi32, #tpu.memory_space<hbm>>) target(%arg8 : memref<16x512xi32, #tpu.memory_space<vmem>>) offsets(%dma_start3A_79 : memref<16xi32, #tpu.memory_space<vmem>>) semaphore(%arg14 : memref<!tpu.dma_semaphore, #tpu.memory_space<semaphore_mem>>)
    %dma_start3A_83 = arith.constant 48 : i32
    %dma_start3A_84 = tpu.memref_slice %arg6[%dma_start3A_83] : memref<64xi32, #tpu.memory_space<vmem>> -> memref<16xi32, #tpu.memory_space<vmem>>
    %dma_start3A_85 = arith.constant 0 : i32
    %dma_start3A_86 = arith.constant 0 : i32
    %dma_start3A_87 = tpu.memref_slice %arg2[%dma_start3A_85, %dma_start3A_86] : memref<6144x512xi32, #tpu.memory_space<hbm>> -> memref<6144x512xi32, #tpu.memory_space<hbm>>
    tpu.enqueue_indirect_dma source(%dma_start3A_87 : memref<6144x512xi32, #tpu.memory_space<hbm>>) target(%arg10 : memref<16x512xi32, #tpu.memory_space<vmem>>) offsets(%dma_start3A_84 : memref<16xi32, #tpu.memory_space<vmem>>) semaphore(%arg16 : memref<!tpu.dma_semaphore, #tpu.memory_space<semaphore_mem>>)
    %dma_wait3A_88 = arith.constant 32 : i32
    %dma_wait3A_89 = tpu.memref_slice %arg5[%dma_wait3A_88] : memref<64xi32, #tpu.memory_space<vmem>> -> memref<16xi32, #tpu.memory_space<vmem>>
    %dma_wait3A_90 = arith.constant 0 : i32
    %dma_wait3A_91 = arith.constant 0 : i32
    %dma_wait3A_92 = tpu.memref_slice %arg2[%dma_wait3A_90, %dma_wait3A_91] : memref<6144x512xi32, #tpu.memory_space<hbm>> -> memref<6144x512xi32, #tpu.memory_space<hbm>>
    tpu.wait_indirect_dma semaphore(%arg13 : memref<!tpu.dma_semaphore, #tpu.memory_space<semaphore_mem>>) src(%dma_wait3A_92 : memref<6144x512xi32, #tpu.memory_space<hbm>>) dst(%arg7 : memref<16x512xi32, #tpu.memory_space<vmem>>)
    %dma_wait3A_93 = arith.constant 32 : i32
    %dma_wait3A_94 = tpu.memref_slice %arg6[%dma_wait3A_93] : memref<64xi32, #tpu.memory_space<vmem>> -> memref<16xi32, #tpu.memory_space<vmem>>
    %dma_wait3A_95 = arith.constant 0 : i32
    %dma_wait3A_96 = arith.constant 0 : i32
    %dma_wait3A_97 = tpu.memref_slice %arg2[%dma_wait3A_95, %dma_wait3A_96] : memref<6144x512xi32, #tpu.memory_space<hbm>> -> memref<6144x512xi32, #tpu.memory_space<hbm>>
    tpu.wait_indirect_dma semaphore(%arg15 : memref<!tpu.dma_semaphore, #tpu.memory_space<semaphore_mem>>) src(%dma_wait3A_97 : memref<6144x512xi32, #tpu.memory_space<hbm>>) dst(%arg9 : memref<16x512xi32, #tpu.memory_space<vmem>>)
    %dma_wait3A_98 = arith.constant 0 : i32
    %dma_wait3A_99 = tpu.memref_slice %arg4[%add3A_40, %dma_wait3A_98] : memref<2048x1024xf32, #tpu.memory_space<hbm>> -> memref<16x1024xf32, #tpu.memory_space<hbm>>
    %dma_wait3A_100 = arith.constant 0 : i32
    %dma_wait3A_101 = tpu.memref_slice %arg4[%add3A_40, %dma_wait3A_100] : memref<2048x1024xf32, #tpu.memory_space<hbm>> -> memref<16x1024xf32, #tpu.memory_space<hbm>>
    tpu.wait_dma2 semaphore(%arg17 : memref<!tpu.dma_semaphore, #tpu.memory_space<semaphore_mem>>) src(%arg11 : memref<16x1024xf32, #tpu.memory_space<vmem>>) dst(%dma_wait3A_101 : memref<16x1024xf32, #tpu.memory_space<hbm>>)
    %scan3A_102 = arith.constant 0 : i32
    %scan3A_103 = arith.constant 0 : i32
    %scan3A_104 = arith.constant 512 : i32
    %scan3A_105 = arith.addi %scan3A_103, %scan3A_104 : i32
    %scan3A_106 = arith.constant 1 : i32
    %scan3A_107 = scf.for %scan3A_150 = %scan3A_103 to %scan3A_105 step %scan3A_106 iter_args(%scan3A_151 = %scan3A_102) -> (i32)  : i32 {
      %shift_right_arithmetic3A = arith.constant 5 : i32
      %shift_right_arithmetic3A_152 = arith.shrsi %scan3A_150, %shift_right_arithmetic3A : i32
      %and3A = arith.constant 31 : i32
      %and3A_153 = arith.andi %scan3A_150, %and3A : i32
      %mul3A_154 = arith.constant 16 : i32
      %mul3A_155 = arith.muli %and3A_153, %mul3A_154 : i32
      %get3A = arith.index_cast %shift_right_arithmetic3A_152 : i32 to index
      %get3A_156 = arith.index_cast %mul3A_155 : i32 to index
      %get3A_157 = tpu.vector_load %arg7[%get3A, %get3A_156] {strides = array<i32>} : memref<16x512xi32, #tpu.memory_space<vmem>>, vector<16xi32>,
      %get3A_158 = arith.index_cast %shift_right_arithmetic3A_152 : i32 to index
      %get3A_159 = arith.index_cast %mul3A_155 : i32 to index
      %get3A_160 = tpu.vector_load %arg9[%get3A_158, %get3A_159] {strides = array<i32>} : memref<16x512xi32, #tpu.memory_space<vmem>>, vector<16xi32>,
      %shift_left3A = arith.constant 16 : i32
      %shift_left3A_161 = vector.broadcast %shift_left3A : i32 to vector<16xi32>
      %shift_left3A_162 = arith.shli %get3A_157, %shift_left3A_161 : vector<16xi32>
      %bitcast3A = vector.bitcast %shift_left3A_162 : vector<16xi32> to vector<16xf32>
      %shift_left3A_163 = arith.constant 16 : i32
      %shift_left3A_164 = vector.broadcast %shift_left3A_163 : i32 to vector<16xi32>
      %shift_left3A_165 = arith.shli %get3A_160, %shift_left3A_164 : vector<16xi32>
      %bitcast3A_166 = vector.bitcast %shift_left3A_165 : vector<16xi32> to vector<16xf32>
      %add3A_167 = arith.addf %bitcast3A, %bitcast3A_166 : vector<16xf32>
      %and3A_168 = arith.constant -65536 : i32
      %and3A_169 = vector.broadcast %and3A_168 : i32 to vector<16xi32>
      %and3A_170 = arith.andi %get3A_157, %and3A_169 : vector<16xi32>
      %bitcast3A_171 = vector.bitcast %and3A_170 : vector<16xi32> to vector<16xf32>
      %and3A_172 = arith.constant -65536 : i32
      %and3A_173 = vector.broadcast %and3A_172 : i32 to vector<16xi32>
      %and3A_174 = arith.andi %get3A_160, %and3A_173 : vector<16xi32>
      %bitcast3A_175 = vector.bitcast %and3A_174 : vector<16xi32> to vector<16xf32>
      %add3A_176 = arith.addf %bitcast3A_171, %bitcast3A_175 : vector<16xf32>
      %swap3A = arith.index_cast %shift_right_arithmetic3A_152 : i32 to index
      %swap3A_177 = arith.index_cast %mul3A_155 : i32 to index
      %swap3A_178 = tpu.vector_load %arg11[%swap3A, %swap3A_177] {strides = array<i32>} : memref<16x1024xf32, #tpu.memory_space<vmem>>, vector<16xf32>,
      tpu.vector_store %arg11[%swap3A, %swap3A_177], %add3A_167 {strides = array<i32>} : memref<16x1024xf32, #tpu.memory_space<vmem>>, vector<16xf32>,
      %add3A_179 = arith.constant 512 : i32
      %add3A_180 = arith.addi %add3A_179, %mul3A_155 : i32
      %swap3A_181 = arith.index_cast %shift_right_arithmetic3A_152 : i32 to index
      %swap3A_182 = arith.index_cast %add3A_180 : i32 to index
      %swap3A_183 = tpu.vector_load %arg11[%swap3A_181, %swap3A_182] {strides = array<i32>} : memref<16x1024xf32, #tpu.memory_space<vmem>>, vector<16xf32>,
      tpu.vector_store %arg11[%swap3A_181, %swap3A_182], %add3A_176 {strides = array<i32>} : memref<16x1024xf32, #tpu.memory_space<vmem>>, vector<16xf32>,
      %scan3A_184 = arith.constant 0 : i32
      scf.yield %scan3A_184 : i32
    }
    %scan3A_108 = arith.constant 512 : i32
    %add3A_109 = arith.constant 32 : i32
    %add3A_110 = arith.addi %mul3A_2, %add3A_109 : i32
    %dma_start3A_111 = arith.constant 0 : i32
    %dma_start3A_112 = tpu.memref_slice %arg4[%add3A_110, %dma_start3A_111] : memref<2048x1024xf32, #tpu.memory_space<hbm>> -> memref<16x1024xf32, #tpu.memory_space<hbm>>
    %dma_start3A_113 = arith.constant 0 : i32
    %dma_start3A_114 = tpu.memref_slice %arg4[%add3A_110, %dma_start3A_113] : memref<2048x1024xf32, #tpu.memory_space<hbm>> -> memref<16x1024xf32, #tpu.memory_space<hbm>>
    tpu.enqueue_dma source(%arg11 : memref<16x1024xf32, #tpu.memory_space<vmem>>) target(%dma_start3A_114 : memref<16x1024xf32, #tpu.memory_space<hbm>>) target_semaphore(%arg17 : memref<!tpu.dma_semaphore, #tpu.memory_space<semaphore_mem>>)
    %dma_wait3A_115 = arith.constant 48 : i32
    %dma_wait3A_116 = tpu.memref_slice %arg5[%dma_wait3A_115] : memref<64xi32, #tpu.memory_space<vmem>> -> memref<16xi32, #tpu.memory_space<vmem>>
    %dma_wait3A_117 = arith.constant 0 : i32
    %dma_wait3A_118 = arith.constant 0 : i32
    %dma_wait3A_119 = tpu.memref_slice %arg2[%dma_wait3A_117, %dma_wait3A_118] : memref<6144x512xi32, #tpu.memory_space<hbm>> -> memref<6144x512xi32, #tpu.memory_space<hbm>>
    tpu.wait_indirect_dma semaphore(%arg14 : memref<!tpu.dma_semaphore, #tpu.memory_space<semaphore_mem>>) src(%dma_wait3A_119 : memref<6144x512xi32, #tpu.memory_space<hbm>>) dst(%arg8 : memref<16x512xi32, #tpu.memory_space<vmem>>)
    %dma_wait3A_120 = arith.constant 48 : i32
    %dma_wait3A_121 = tpu.memref_slice %arg6[%dma_wait3A_120] : memref<64xi32, #tpu.memory_space<vmem>> -> memref<16xi32, #tpu.memory_space<vmem>>
    %dma_wait3A_122 = arith.constant 0 : i32
    %dma_wait3A_123 = arith.constant 0 : i32
    %dma_wait3A_124 = tpu.memref_slice %arg2[%dma_wait3A_122, %dma_wait3A_123] : memref<6144x512xi32, #tpu.memory_space<hbm>> -> memref<6144x512xi32, #tpu.memory_space<hbm>>
    tpu.wait_indirect_dma semaphore(%arg16 : memref<!tpu.dma_semaphore, #tpu.memory_space<semaphore_mem>>) src(%dma_wait3A_124 : memref<6144x512xi32, #tpu.memory_space<hbm>>) dst(%arg10 : memref<16x512xi32, #tpu.memory_space<vmem>>)
    %dma_wait3A_125 = arith.constant 0 : i32
    %dma_wait3A_126 = tpu.memref_slice %arg4[%add3A_73, %dma_wait3A_125] : memref<2048x1024xf32, #tpu.memory_space<hbm>> -> memref<16x1024xf32, #tpu.memory_space<hbm>>
    %dma_wait3A_127 = arith.constant 0 : i32
    %dma_wait3A_128 = tpu.memref_slice %arg4[%add3A_73, %dma_wait3A_127] : memref<2048x1024xf32, #tpu.memory_space<hbm>> -> memref<16x1024xf32, #tpu.memory_space<hbm>>
    tpu.wait_dma2 semaphore(%arg18 : memref<!tpu.dma_semaphore, #tpu.memory_space<semaphore_mem>>) src(%arg12 : memref<16x1024xf32, #tpu.memory_space<vmem>>) dst(%dma_wait3A_128 : memref<16x1024xf32, #tpu.memory_space<hbm>>)
    %scan3A_129 = arith.constant 0 : i32
    %scan3A_130 = arith.constant 0 : i32
    %scan3A_131 = arith.constant 512 : i32
    %scan3A_132 = arith.addi %scan3A_130, %scan3A_131 : i32
    %scan3A_133 = arith.constant 1 : i32
    %scan3A_134 = scf.for %scan3A_150 = %scan3A_130 to %scan3A_132 step %scan3A_133 iter_args(%scan3A_151 = %scan3A_129) -> (i32)  : i32 {
      %shift_right_arithmetic3A = arith.constant 5 : i32
      %shift_right_arithmetic3A_152 = arith.shrsi %scan3A_150, %shift_right_arithmetic3A : i32
      %and3A = arith.constant 31 : i32
      %and3A_153 = arith.andi %scan3A_150, %and3A : i32
      %mul3A_154 = arith.constant 16 : i32
      %mul3A_155 = arith.muli %and3A_153, %mul3A_154 : i32
      %get3A = arith.index_cast %shift_right_arithmetic3A_152 : i32 to index
      %get3A_156 = arith.index_cast %mul3A_155 : i32 to index
      %get3A_157 = tpu.vector_load %arg8[%get3A, %get3A_156] {strides = array<i32>} : memref<16x512xi32, #tpu.memory_space<vmem>>, vector<16xi32>,
      %get3A_158 = arith.index_cast %shift_right_arithmetic3A_152 : i32 to index
      %get3A_159 = arith.index_cast %mul3A_155 : i32 to index
      %get3A_160 = tpu.vector_load %arg10[%get3A_158, %get3A_159] {strides = array<i32>} : memref<16x512xi32, #tpu.memory_space<vmem>>, vector<16xi32>,
      %shift_left3A = arith.constant 16 : i32
      %shift_left3A_161 = vector.broadcast %shift_left3A : i32 to vector<16xi32>
      %shift_left3A_162 = arith.shli %get3A_157, %shift_left3A_161 : vector<16xi32>
      %bitcast3A = vector.bitcast %shift_left3A_162 : vector<16xi32> to vector<16xf32>
      %shift_left3A_163 = arith.constant 16 : i32
      %shift_left3A_164 = vector.broadcast %shift_left3A_163 : i32 to vector<16xi32>
      %shift_left3A_165 = arith.shli %get3A_160, %shift_left3A_164 : vector<16xi32>
      %bitcast3A_166 = vector.bitcast %shift_left3A_165 : vector<16xi32> to vector<16xf32>
      %add3A_167 = arith.addf %bitcast3A, %bitcast3A_166 : vector<16xf32>
      %and3A_168 = arith.constant -65536 : i32
      %and3A_169 = vector.broadcast %and3A_168 : i32 to vector<16xi32>
      %and3A_170 = arith.andi %get3A_157, %and3A_169 : vector<16xi32>
      %bitcast3A_171 = vector.bitcast %and3A_170 : vector<16xi32> to vector<16xf32>
      %and3A_172 = arith.constant -65536 : i32
      %and3A_173 = vector.broadcast %and3A_172 : i32 to vector<16xi32>
      %and3A_174 = arith.andi %get3A_160, %and3A_173 : vector<16xi32>
      %bitcast3A_175 = vector.bitcast %and3A_174 : vector<16xi32> to vector<16xf32>
      %add3A_176 = arith.addf %bitcast3A_171, %bitcast3A_175 : vector<16xf32>
      %swap3A = arith.index_cast %shift_right_arithmetic3A_152 : i32 to index
      %swap3A_177 = arith.index_cast %mul3A_155 : i32 to index
      %swap3A_178 = tpu.vector_load %arg12[%swap3A, %swap3A_177] {strides = array<i32>} : memref<16x1024xf32, #tpu.memory_space<vmem>>, vector<16xf32>,
      tpu.vector_store %arg12[%swap3A, %swap3A_177], %add3A_167 {strides = array<i32>} : memref<16x1024xf32, #tpu.memory_space<vmem>>, vector<16xf32>,
      %add3A_179 = arith.constant 512 : i32
      %add3A_180 = arith.addi %add3A_179, %mul3A_155 : i32
      %swap3A_181 = arith.index_cast %shift_right_arithmetic3A_152 : i32 to index
      %swap3A_182 = arith.index_cast %add3A_180 : i32 to index
      %swap3A_183 = tpu.vector_load %arg12[%swap3A_181, %swap3A_182] {strides = array<i32>} : memref<16x1024xf32, #tpu.memory_space<vmem>>, vector<16xf32>,
      tpu.vector_store %arg12[%swap3A_181, %swap3A_182], %add3A_176 {strides = array<i32>} : memref<16x1024xf32, #tpu.memory_space<vmem>>, vector<16xf32>,
      %scan3A_184 = arith.constant 0 : i32
      scf.yield %scan3A_184 : i32
    }
    %scan3A_135 = arith.constant 512 : i32
    %add3A_136 = arith.constant 48 : i32
    %add3A_137 = arith.addi %mul3A_2, %add3A_136 : i32
    %dma_start3A_138 = arith.constant 0 : i32
    %dma_start3A_139 = tpu.memref_slice %arg4[%add3A_137, %dma_start3A_138] : memref<2048x1024xf32, #tpu.memory_space<hbm>> -> memref<16x1024xf32, #tpu.memory_space<hbm>>
    %dma_start3A_140 = arith.constant 0 : i32
    %dma_start3A_141 = tpu.memref_slice %arg4[%add3A_137, %dma_start3A_140] : memref<2048x1024xf32, #tpu.memory_space<hbm>> -> memref<16x1024xf32, #tpu.memory_space<hbm>>
    tpu.enqueue_dma source(%arg12 : memref<16x1024xf32, #tpu.memory_space<vmem>>) target(%dma_start3A_141 : memref<16x1024xf32, #tpu.memory_space<hbm>>) target_semaphore(%arg18 : memref<!tpu.dma_semaphore, #tpu.memory_space<semaphore_mem>>)
    %dma_wait3A_142 = arith.constant 0 : i32
    %dma_wait3A_143 = tpu.memref_slice %arg4[%add3A_110, %dma_wait3A_142] : memref<2048x1024xf32, #tpu.memory_space<hbm>> -> memref<16x1024xf32, #tpu.memory_space<hbm>>
    %dma_wait3A_144 = arith.constant 0 : i32
    %dma_wait3A_145 = tpu.memref_slice %arg4[%add3A_110, %dma_wait3A_144] : memref<2048x1024xf32, #tpu.memory_space<hbm>> -> memref<16x1024xf32, #tpu.memory_space<hbm>>
    tpu.wait_dma2 semaphore(%arg17 : memref<!tpu.dma_semaphore, #tpu.memory_space<semaphore_mem>>) src(%arg11 : memref<16x1024xf32, #tpu.memory_space<vmem>>) dst(%dma_wait3A_145 : memref<16x1024xf32, #tpu.memory_space<hbm>>)
    %dma_wait3A_146 = arith.constant 0 : i32
    %dma_wait3A_147 = tpu.memref_slice %arg4[%add3A_137, %dma_wait3A_146] : memref<2048x1024xf32, #tpu.memory_space<hbm>> -> memref<16x1024xf32, #tpu.memory_space<hbm>>
    %dma_wait3A_148 = arith.constant 0 : i32
    %dma_wait3A_149 = tpu.memref_slice %arg4[%add3A_137, %dma_wait3A_148] : memref<2048x1024xf32, #tpu.memory_space<hbm>> -> memref<16x1024xf32, #tpu.memory_space<hbm>>
    tpu.wait_dma2 semaphore(%arg18 : memref<!tpu.dma_semaphore, #tpu.memory_space<semaphore_mem>>) src(%arg12 : memref<16x1024xf32, #tpu.memory_space<vmem>>) dst(%dma_wait3A_149 : memref<16x1024xf32, #tpu.memory_space<hbm>>)
    return
  }
}

module attributes {stable_mosaic.version = 14 : i64} {
  func.func @_router_body(%arg0: memref<2048x1024xf32, #tpu.memory_space<vmem>>, %arg1: memref<1024x8xf32, #tpu.memory_space<vmem>>, %arg2: memref<2048xi32, #tpu.memory_space<vmem>>, %arg3: memref<2048xi32, #tpu.memory_space<vmem>>, %arg4: memref<2048xf32, #tpu.memory_space<vmem>>, %arg5: memref<2048xf32, #tpu.memory_space<vmem>>) attributes {dimension_semantics = [], scalar_prefetch = 0 : i64, scratch_operands = 0 : i64, tpu.core_type = #tpu.core_type<tc>} {
    %get3A = arith.constant 0 : index
    %get3A_0 = arith.constant 0 : index
    %get3A_1 = vector.load %arg0[%get3A, %get3A_0] : memref<2048x1024xf32, #tpu.memory_space<vmem>>, vector<2048x1024xf32>
    %get3A_2 = arith.constant 0 : index
    %get3A_3 = arith.constant 0 : index
    %get3A_4 = vector.load %arg1[%get3A_2, %get3A_3] : memref<1024x8xf32, #tpu.memory_space<vmem>>, vector<1024x8xf32>
    %dot_general3A = arith.constant dense<0.000000e+00> : vector<2048x8xf32>
    %dot_general3A_5 = tpu.matmul %get3A_1, %get3A_4, %dot_general3A {dimension_numbers = #tpu.dot_dimension_numbers<[1], [0], [0], [1], [0, 0, 1, 1], [], []>, transpose_lhs_hint = false} : vector<2048x1024xf32>, vector<1024x8xf32>, vector<2048x8xf32> -> vector<2048x8xf32>
    %iota3A = tpu.iota {dimensions = array<i32: 1>} : vector<2048x8xi32>
    %reduce_max3A = arith.constant dense<0xFF800000> : vector<2048xf32>
    %reduce_max3A_6 = vector.multi_reduction <maximumf>, %dot_general3A_5, %reduce_max3A [1] : vector<2048x8xf32> to vector<2048xf32>
    %broadcast_in_dim3A = vector.shape_cast %reduce_max3A_6 : vector<2048xf32> to vector<2048x1xf32>
    %eq3A = vector.broadcast %broadcast_in_dim3A : vector<2048x1xf32> to vector<2048x8xf32>
    %eq3A_7 = arith.cmpf oeq, %dot_general3A_5, %eq3A : vector<2048x8xf32>
    %jit3A = arith.constant 8 : i32
    %broadcast_in_dim3A_8 = vector.broadcast %jit3A : i32 to vector<2048x8xi32>
    %select_n3A = arith.select %eq3A_7, %iota3A, %broadcast_in_dim3A_8 : vector<2048x8xi1>, vector<2048x8xi32>
    %reduce_min3A = arith.constant dense<2147483647> : vector<2048xi32>
    %reduce_min3A_9 = vector.multi_reduction <minsi>, %select_n3A, %reduce_min3A [1] : vector<2048x8xi32> to vector<2048xi32>
    %broadcast_in_dim3A_10 = vector.shape_cast %reduce_min3A_9 : vector<2048xi32> to vector<2048x1xi32>
    %eq3A_11 = vector.broadcast %broadcast_in_dim3A_10 : vector<2048x1xi32> to vector<2048x8xi32>
    %eq3A_12 = arith.cmpi eq, %iota3A, %eq3A_11 : vector<2048x8xi32>
    %jit3A_13 = arith.constant 0xFF800000 : f32
    %broadcast_in_dim3A_14 = vector.broadcast %jit3A_13 : f32 to vector<2048x8xf32>
    %select_n3A_15 = arith.select %eq3A_12, %broadcast_in_dim3A_14, %dot_general3A_5 : vector<2048x8xi1>, vector<2048x8xf32>
    %reduce_max3A_16 = arith.constant dense<0xFF800000> : vector<2048xf32>
    %reduce_max3A_17 = vector.multi_reduction <maximumf>, %select_n3A_15, %reduce_max3A_16 [1] : vector<2048x8xf32> to vector<2048xf32>
    %broadcast_in_dim3A_18 = vector.shape_cast %reduce_max3A_17 : vector<2048xf32> to vector<2048x1xf32>
    %eq3A_19 = vector.broadcast %broadcast_in_dim3A_18 : vector<2048x1xf32> to vector<2048x8xf32>
    %eq3A_20 = arith.cmpf oeq, %select_n3A_15, %eq3A_19 : vector<2048x8xf32>
    %jit3A_21 = arith.constant 8 : i32
    %broadcast_in_dim3A_22 = vector.broadcast %jit3A_21 : i32 to vector<2048x8xi32>
    %select_n3A_23 = arith.select %eq3A_20, %iota3A, %broadcast_in_dim3A_22 : vector<2048x8xi1>, vector<2048x8xi32>
    %reduce_min3A_24 = arith.constant dense<2147483647> : vector<2048xi32>
    %reduce_min3A_25 = vector.multi_reduction <minsi>, %select_n3A_23, %reduce_min3A_24 [1] : vector<2048x8xi32> to vector<2048xi32>
    %broadcast_in_dim3A_26 = vector.shape_cast %reduce_min3A_25 : vector<2048xi32> to vector<2048x1xi32>
    %sub3A = arith.subf %broadcast_in_dim3A_18, %broadcast_in_dim3A : vector<2048x1xf32>
    %exp3A = math.exp %sub3A : vector<2048x1xf32>
    %add3A = arith.constant 1.000000e+00 : f32
    %add3A_27 = vector.broadcast %add3A : f32 to vector<2048x1xf32>
    %add3A_28 = arith.addf %add3A_27, %exp3A : vector<2048x1xf32>
    %div3A = arith.constant 1.000000e+00 : f32
    %div3A_29 = vector.broadcast %div3A : f32 to vector<2048x1xf32>
    %div3A_30 = arith.divf %div3A_29, %add3A_28 : vector<2048x1xf32>
    %reshape3A = vector.shape_cast %broadcast_in_dim3A_10 : vector<2048x1xi32> to vector<2048xi32>
    %swap3A = arith.constant 0 : index
    %swap3A_31 = vector.load %arg2[%swap3A] : memref<2048xi32, #tpu.memory_space<vmem>>, vector<2048xi32>
    tpu.vector_store %arg2[%swap3A], %reshape3A {strides = array<i32>} : memref<2048xi32, #tpu.memory_space<vmem>>, vector<2048xi32>,
    %reshape3A_32 = vector.shape_cast %broadcast_in_dim3A_26 : vector<2048x1xi32> to vector<2048xi32>
    %swap3A_33 = arith.constant 0 : index
    %swap3A_34 = vector.load %arg3[%swap3A_33] : memref<2048xi32, #tpu.memory_space<vmem>>, vector<2048xi32>
    tpu.vector_store %arg3[%swap3A_33], %reshape3A_32 {strides = array<i32>} : memref<2048xi32, #tpu.memory_space<vmem>>, vector<2048xi32>,
    %reshape3A_35 = vector.shape_cast %div3A_30 : vector<2048x1xf32> to vector<2048xf32>
    %swap3A_36 = arith.constant 0 : index
    %swap3A_37 = vector.load %arg4[%swap3A_36] : memref<2048xf32, #tpu.memory_space<vmem>>, vector<2048xf32>
    tpu.vector_store %arg4[%swap3A_36], %reshape3A_35 {strides = array<i32>} : memref<2048xf32, #tpu.memory_space<vmem>>, vector<2048xf32>,
    %reshape3A_38 = vector.shape_cast %div3A_30 : vector<2048x1xf32> to vector<2048xf32>
    %sub3A_39 = arith.constant 1.000000e+00 : f32
    %sub3A_40 = vector.broadcast %sub3A_39 : f32 to vector<2048xf32>
    %sub3A_41 = arith.subf %sub3A_40, %reshape3A_38 : vector<2048xf32>
    %swap3A_42 = arith.constant 0 : index
    %swap3A_43 = vector.load %arg5[%swap3A_42] : memref<2048xf32, #tpu.memory_space<vmem>>, vector<2048xf32>
    tpu.vector_store %arg5[%swap3A_42], %sub3A_41 {strides = array<i32>} : memref<2048xf32, #tpu.memory_space<vmem>>, vector<2048xf32>,
    return
  }
}

module attributes {stable_mosaic.version = 14 : i64} {
  func.func @_mlp_body(%arg0: i32, %arg1: memref<32xi32, #tpu.memory_space<smem>>, %arg2: memref<1x256x1xi32, #tpu.memory_space<vmem>>, %arg3: memref<2048x1024xf32, #tpu.memory_space<vmem>>, %arg4: memref<1x1024x2048xf32, #tpu.memory_space<vmem>>, %arg5: memref<1x1024x2048xf32, #tpu.memory_space<vmem>>, %arg6: memref<1x2048x1024xf32, #tpu.memory_space<vmem>>, %arg7: memref<256x1xf32, #tpu.memory_space<vmem>>, %arg8: memref<256x512xi32, #tpu.memory_space<vmem>>) attributes {dimension_semantics = [#tpu.dimension_semantics<arbitrary>], iteration_bounds = array<i64: 24>, scalar_prefetch = 1 : i64, scratch_operands = 0 : i64, tpu.core_type = #tpu.core_type<tc>, window_params = [{transform_indices = @transform_0, window_bounds = array<i64: 1, 256, 1>}, {pipeline_mode = #tpu.pipeline_mode<synchronous>, transform_indices = @transform_1, window_bounds = array<i64: 2048, 1024>}, {transform_indices = @transform_2, window_bounds = array<i64: 1, 1024, 2048>}, {transform_indices = @transform_3, window_bounds = array<i64: 1, 1024, 2048>}, {transform_indices = @transform_4, window_bounds = array<i64: 1, 2048, 1024>}, {transform_indices = @transform_5, window_bounds = array<i64: 256, 1>}, {transform_indices = @transform_6, window_bounds = array<i64: 256, 512>}]} {
    %get3A = arith.constant 31 : index
    %get3A_0 = memref.load %arg1[%get3A] : memref<32xi32, #tpu.memory_space<smem>>
    %lt3A = arith.cmpi slt, %arg0, %get3A_0 : i32
    %convert_element_type3A = arith.extui %lt3A : i1 to i32
    %cond3A = arith.constant 0 : i32
    %cond3A_1 = arith.cmpi ne, %convert_element_type3A, %cond3A : i32
    scf.if %cond3A_1 {
      %get3A_2 = arith.constant 0 : index
      %get3A_3 = arith.constant 0 : index
      %get3A_4 = arith.constant 0 : index
      %get3A_5 = vector.load %arg2[%get3A_2, %get3A_3, %get3A_4] : memref<1x256x1xi32, #tpu.memory_space<vmem>>, vector<1x256x1xi32>
      %get3A_6 = vector.shape_cast %get3A_5 : vector<1x256x1xi32> to vector<256x1xi32>
      %iota3A = tpu.iota {dimensions = array<i32: 1>} : vector<256x2048xi32>
      %eq3A = vector.broadcast %get3A_6 : vector<256x1xi32> to vector<256x2048xi32>
      %eq3A_7 = arith.cmpi eq, %iota3A, %eq3A : vector<256x2048xi32>
      %convert_element_type3A_8 = arith.extui %eq3A_7 : vector<256x2048xi1> to vector<256x2048xi32>
      %convert_element_type3A_9 = arith.sitofp %convert_element_type3A_8 : vector<256x2048xi32> to vector<256x2048xf32>
      %get3A_10 = arith.constant 0 : index
      %get3A_11 = arith.constant 0 : index
      %get3A_12 = vector.load %arg3[%get3A_10, %get3A_11] : memref<2048x1024xf32, #tpu.memory_space<vmem>>, vector<2048x1024xf32>
      %dot_general3A = arith.constant dense<0.000000e+00> : vector<256x1024xf32>
      %dot_general3A_13 = tpu.matmul %convert_element_type3A_9, %get3A_12, %dot_general3A {dimension_numbers = #tpu.dot_dimension_numbers<[1], [0], [0], [1], [0, 0, 1, 1], [], []>, transpose_lhs_hint = false} : vector<256x2048xf32>, vector<2048x1024xf32>, vector<256x1024xf32> -> vector<256x1024xf32>
      %get3A_14 = arith.constant 0 : index
      %get3A_15 = arith.constant 0 : index
      %get3A_16 = arith.constant 0 : index
      %get3A_17 = vector.load %arg4[%get3A_14, %get3A_15, %get3A_16] : memref<1x1024x2048xf32, #tpu.memory_space<vmem>>, vector<1x1024x2048xf32>
      %get3A_18 = vector.shape_cast %get3A_17 : vector<1x1024x2048xf32> to vector<1024x2048xf32>
      %dot_general3A_19 = arith.constant dense<0.000000e+00> : vector<256x2048xf32>
      %dot_general3A_20 = tpu.matmul %dot_general3A_13, %get3A_18, %dot_general3A_19 {dimension_numbers = #tpu.dot_dimension_numbers<[1], [0], [0], [1], [0, 0, 1, 1], [], []>, transpose_lhs_hint = false} : vector<256x1024xf32>, vector<1024x2048xf32>, vector<256x2048xf32> -> vector<256x2048xf32>
      %get3A_21 = arith.constant 0 : index
      %get3A_22 = arith.constant 0 : index
      %get3A_23 = arith.constant 0 : index
      %get3A_24 = vector.load %arg5[%get3A_21, %get3A_22, %get3A_23] : memref<1x1024x2048xf32, #tpu.memory_space<vmem>>, vector<1x1024x2048xf32>
      %get3A_25 = vector.shape_cast %get3A_24 : vector<1x1024x2048xf32> to vector<1024x2048xf32>
      %dot_general3A_26 = arith.constant dense<0.000000e+00> : vector<256x2048xf32>
      %dot_general3A_27 = tpu.matmul %dot_general3A_13, %get3A_25, %dot_general3A_26 {dimension_numbers = #tpu.dot_dimension_numbers<[1], [0], [0], [1], [0, 0, 1, 1], [], []>, transpose_lhs_hint = false} : vector<256x1024xf32>, vector<1024x2048xf32>, vector<256x2048xf32> -> vector<256x2048xf32>
      %neg3A = arith.constant 0.000000e+00 : f32
      %neg3A_28 = vector.broadcast %neg3A : f32 to vector<256x2048xf32>
      %neg3A_29 = arith.subf %neg3A_28, %dot_general3A_20 : vector<256x2048xf32>
      %exp3A = math.exp %neg3A_29 : vector<256x2048xf32>
      %add3A = arith.constant 1.000000e+00 : f32
      %add3A_30 = vector.broadcast %add3A : f32 to vector<256x2048xf32>
      %add3A_31 = arith.addf %add3A_30, %exp3A : vector<256x2048xf32>
      %div3A = arith.divf %dot_general3A_20, %add3A_31 : vector<256x2048xf32>
      %mul3A = arith.mulf %div3A, %dot_general3A_27 : vector<256x2048xf32>
      %get3A_32 = arith.constant 0 : index
      %get3A_33 = arith.constant 0 : index
      %get3A_34 = arith.constant 0 : index
      %get3A_35 = vector.load %arg6[%get3A_32, %get3A_33, %get3A_34] : memref<1x2048x1024xf32, #tpu.memory_space<vmem>>, vector<1x2048x1024xf32>
      %get3A_36 = vector.shape_cast %get3A_35 : vector<1x2048x1024xf32> to vector<2048x1024xf32>
      %dot_general3A_37 = arith.constant dense<0.000000e+00> : vector<256x1024xf32>
      %dot_general3A_38 = tpu.matmul %mul3A, %get3A_36, %dot_general3A_37 {dimension_numbers = #tpu.dot_dimension_numbers<[1], [0], [0], [1], [0, 0, 1, 1], [], []>, transpose_lhs_hint = false} : vector<256x2048xf32>, vector<2048x1024xf32>, vector<256x1024xf32> -> vector<256x1024xf32>
      %get3A_39 = arith.constant 0 : index
      %get3A_40 = arith.constant 0 : index
      %get3A_41 = vector.load %arg7[%get3A_39, %get3A_40] : memref<256x1xf32, #tpu.memory_space<vmem>>, vector<256x1xf32>
      %mul3A_42 = vector.broadcast %get3A_41 : vector<256x1xf32> to vector<256x1024xf32>
      %mul3A_43 = arith.mulf %dot_general3A_38, %mul3A_42 : vector<256x1024xf32>
      %slice3A = vector.extract_strided_slice %mul3A_43 {offsets = [0, 0], sizes = [256, 512], strides = [1, 1]} : vector<256x1024xf32> to vector<256x512xf32>
      %bitcast_convert_type3A = tpu.bitcast %slice3A : vector<256x512xf32> -> vector<256x512xi32>
      %slice3A_44 = vector.extract_strided_slice %mul3A_43 {offsets = [0, 512], sizes = [256, 512], strides = [1, 1]} : vector<256x1024xf32> to vector<256x512xf32>
      %bitcast_convert_type3A_45 = tpu.bitcast %slice3A_44 : vector<256x512xf32> -> vector<256x512xi32>
      %add3A_46 = arith.constant 32768 : i32
      %add3A_47 = vector.broadcast %add3A_46 : i32 to vector<256x512xi32>
      %add3A_48 = arith.addi %bitcast_convert_type3A, %add3A_47 : vector<256x512xi32>
      %shift_right_arithmetic3A = arith.constant 16 : i32
      %shift_right_arithmetic3A_49 = vector.broadcast %shift_right_arithmetic3A : i32 to vector<256x512xi32>
      %shift_right_arithmetic3A_50 = arith.shrsi %add3A_48, %shift_right_arithmetic3A_49 : vector<256x512xi32>
      %and3A = arith.constant 65535 : i32
      %and3A_51 = vector.broadcast %and3A : i32 to vector<256x512xi32>
      %and3A_52 = arith.andi %shift_right_arithmetic3A_50, %and3A_51 : vector<256x512xi32>
      %add3A_53 = arith.constant 32768 : i32
      %add3A_54 = vector.broadcast %add3A_53 : i32 to vector<256x512xi32>
      %add3A_55 = arith.addi %bitcast_convert_type3A_45, %add3A_54 : vector<256x512xi32>
      %and3A_56 = arith.constant -65536 : i32
      %and3A_57 = vector.broadcast %and3A_56 : i32 to vector<256x512xi32>
      %and3A_58 = arith.andi %add3A_55, %and3A_57 : vector<256x512xi32>
      %or3A = arith.ori %and3A_52, %and3A_58 : vector<256x512xi32>
      %swap3A = arith.constant 0 : index
      %swap3A_59 = arith.constant 0 : index
      %swap3A_60 = vector.load %arg8[%swap3A, %swap3A_59] : memref<256x512xi32, #tpu.memory_space<vmem>>, vector<256x512xi32>
      tpu.vector_store %arg8[%swap3A, %swap3A_59], %or3A {strides = array<i32>} : memref<256x512xi32, #tpu.memory_space<vmem>>, vector<256x512xi32>,
    } else {
    }
    return
  }
  func.func @transform_0(%arg0: i32, %arg1: memref<32xi32, #tpu.memory_space<smem>>) -> (i32, i32, i32) {
    %c0_i32 = arith.constant 0 : i32
    %c0_i32_0 = arith.constant 0 : i32
    %c0_i32_1 = arith.constant 0 : i32
    return %arg0, %c0_i32, %c0_i32_0 : i32, i32, i32
  }
  func.func @transform_1(%arg0: i32, %arg1: memref<32xi32, #tpu.memory_space<smem>>) -> (i32, i32) {
    %c0_i32 = arith.constant 0 : i32
    %c0_i32_0 = arith.constant 0 : i32
    %c0_i32_1 = arith.constant 0 : i32
    return %c0_i32, %c0_i32_0 : i32, i32
  }
  func.func @transform_2(%arg0: i32, %arg1: memref<32xi32, #tpu.memory_space<smem>>) -> (i32, i32, i32) {
    %get3A = arith.index_cast %arg0 : i32 to index
    %get3A_0 = memref.load %arg1[%get3A] : memref<32xi32, #tpu.memory_space<smem>>
    %c0_i32 = arith.constant 0 : i32
    %c0_i32_1 = arith.constant 0 : i32
    %c0_i32_2 = arith.constant 0 : i32
    return %get3A_0, %c0_i32, %c0_i32_1 : i32, i32, i32
  }
  func.func @transform_3(%arg0: i32, %arg1: memref<32xi32, #tpu.memory_space<smem>>) -> (i32, i32, i32) {
    %get3A = arith.index_cast %arg0 : i32 to index
    %get3A_0 = memref.load %arg1[%get3A] : memref<32xi32, #tpu.memory_space<smem>>
    %c0_i32 = arith.constant 0 : i32
    %c0_i32_1 = arith.constant 0 : i32
    %c0_i32_2 = arith.constant 0 : i32
    return %get3A_0, %c0_i32, %c0_i32_1 : i32, i32, i32
  }
  func.func @transform_4(%arg0: i32, %arg1: memref<32xi32, #tpu.memory_space<smem>>) -> (i32, i32, i32) {
    %get3A = arith.index_cast %arg0 : i32 to index
    %get3A_0 = memref.load %arg1[%get3A] : memref<32xi32, #tpu.memory_space<smem>>
    %c0_i32 = arith.constant 0 : i32
    %c0_i32_1 = arith.constant 0 : i32
    %c0_i32_2 = arith.constant 0 : i32
    return %get3A_0, %c0_i32, %c0_i32_1 : i32, i32, i32
  }
  func.func @transform_5(%arg0: i32, %arg1: memref<32xi32, #tpu.memory_space<smem>>) -> (i32, i32) {
    %c0_i32 = arith.constant 0 : i32
    %c0_i32_0 = arith.constant 0 : i32
    return %arg0, %c0_i32 : i32, i32
  }
  func.func @transform_6(%arg0: i32, %arg1: memref<32xi32, #tpu.memory_space<smem>>) -> (i32, i32) {
    %c0_i32 = arith.constant 0 : i32
    %c0_i32_0 = arith.constant 0 : i32
    return %arg0, %c0_i32 : i32, i32
  }
}

</mosaic_0001>

<sc_bundles>
// kernel: kernel.6.cloned.1.call-start
scs
__scs_entry_jumppad:
0x0: {  	(pc) =	sbr.rel $0x88, $3  }
0x1: {  	(tag) =	ssettag $0x0;
	lr =	simm.s32 $0x1  }
0x2: {  	[smem:$0x3F9C] =	sst lr;
	_ =	strace $0xD0000000  }
0x3: {  	_ = 	snop  }
0x4: {  	_ = 	snop  }
0x5: {  	_ = 	snop  }
0x6: {  	_ = 	snop  }
0x7: {  	_ = 	snop  }
__scs_overlays_trampoline_lowered:
0x8: {  	[smem:$0x3FAB] =	sst s0  }
0x9: {  	[smem:$0x3FAC] =	sst s1  }
0xa: {  	[smem:$0x3FAD] =	sst s2  }
0xb: {  	[smem:$0x3FAE] =	sst s3  }
0xc: {  	[smem:$0x3FAF] =	sst s4  }
0xd: {  	[smem:$0x3FB0] =	sst s5  }
0xe: {  	[smem:$0x3FB1] =	sst s6  }
0xf: {  	[smem:$0x3FB2] =	sst s7  }
0x10: {  	[smem:$0x3FB3] =	sst s8  }
0x11: {  	[smem:$0x3FB4] =	sst s9;
	s0 =	simm.s32 @!p0 $0x0  }
0x12: {  	s1 =	sld [smem:$0x3F9A];
	s0 =	simm.s32 @p0 $0x1  }
0x13: {  	[smem:$0x3FB5] =	sst s0;
	s0 =	simm.s32 @!p1 $0x0  }
0x14: {  	s2 =	sld [smem:$0x3F99];
	s0 =	simm.s32 @p1 $0x1  }
0x15: {  	[smem:$0x3FB6] =	sst s0;
	s0 =	simm.s32 @!p2 $0x0  }
0x16: {  	s3 =	sld [smem:$0x3FDB];
	s0 =	simm.s32 @p2 $0x1  }
0x17: {  	s4 =	simm.s32 $0x1BF5;
	[smem:$0x3FB8] =	sst s0  }
0x18: {  	s0 =	sld [smem:$0x3F9B];
	_ =	swait.ge [sflag:s4], $0x0  }
0x19: {  	s7 =	sld [smem:$0x3F9C]  }
0x1a: {  	s8 =	sadd.s32 $0xFFFFE003, lr  }
0x1b: {  	s9 =	sadd.s32 $0xFFFFFEF7, lr;
	s5 =	simm.s32 $0xFFFFFFFF;
	p2 =	slt.u32 s8, $0xFFFFF086  }
0x1c: {  	p1 =	slt.u32 s9, $0xF7A;
	s5 =	simm.s32 @!p2 $0x0  }
0x1d: {  	s5 =	simm.s32 @p1 $0x1;
	p0 =	seq.s32 s7, s2  }
0x1e: {  	s7 =	smul.u32 @!p0 $0xF7A, s2;
	p2 =	seq.s32 @!p0 s5, $0x0  }
0x1f: {  	s9 =	smul.u32 $0xF7A, s1;
	s8 =	simm.s32 @!p0 $0x1BF5;
	p2 =	por !p2, p0  }
0x20: {  	[sflag:s8] =	ssyncset.s32 @!p0 $0xFFFFF086;
	s6 =	sadd.s32 @!p0 s3, s7;
	s7 =	simm.s32 @!p0 $0x108  }
0x21: {  	s3 =	sadd.s32 s3, s9;
	s6 =	sadd.s32 @!p0 $0x88, s6;
	s7 =	simm.s32 @p2 $0x1082  }
0x22: {  	[simem:s7], [sflag:s8] =	dma.local @!p0 [hbm:s6], $0xF7A  }
0x23: {  	s9 =	sor.u32 $0xD0000000, s2;
	s6 =	simm.s32 $0x108;
	_ =	swait.ge @!p0 [sflag:s8], $0x0  }
0x24: {  	s3 =	sadd.s32 $0x88, s3;
	s6 =	simm.s32 @!p1 $0x1082;
	[sflag:s4] =	ssyncset.s32 $0xFFFFF086  }
0x25: {  	[simem:s6], [sflag:s4] =	dma.local [hbm:s3], $0xF7A  }
0x26: {  	[smem:$0x3F9C] =	sst s1;
	(tag) =	ssettag s2;
	_ =	strace s9  }
0x27: {  	s1 =	sld [smem:$0x3FAC]  }
0x28: {  	s2 =	sld [smem:$0x3FAD]  }
0x29: {  	s4 =	sld [smem:$0x3FAF]  }
0x2a: {  	p0 =	seq.s32 s5, $0x0;
	s5 =	sld [smem:$0x3FB0]  }
0x2b: {  	s6 =	sld [smem:$0x3FB1]  }
0x2c: {  	s7 =	sld [smem:$0x3FB2]  }
0x2d: {  	s3 =	simm.s32 $0x108;
	s8 =	sld [smem:$0x3FB3]  }
0x2e: {  	s3 =	simm.s32 @!p0 $0x1082;
	s9 =	sld [smem:$0x3FB4]  }
0x2f: {  	lr =	sadd.s32 s0, s3;
	s0 =	sld [smem:$0x3FAB]  }
0x30: {  	s3 =	sld [smem:$0x3FAE]  }
0x31: {  	[smem:$0x3FB7] =	sst s10  }
0x32: {  	s10 =	sld [smem:$0x3FB5];
	_ =	sdelay $0x3  }
0x33: {  	p0 =	seq.s32 s10, $0x1;
	s10 =	sld [smem:$0x3FB7];
	_ =	sdelay $0x3  }
0x34: {  	[smem:$0x3FB7] =	sst s10  }
0x35: {  	s10 =	sld [smem:$0x3FB6];
	_ =	sdelay $0x3  }
0x36: {  	p1 =	seq.s32 s10, $0x1;
	s10 =	sld [smem:$0x3FB7];
	_ =	sdelay $0x3  }
0x37: {  	[smem:$0x3FB7] =	sst s10  }
0x38: {  	s10 =	sld [smem:$0x3FB8]  }
0x39: {  	_ = 	snop;
	(pc) =	sbr.ind lr, $3  }
0x3a: {  	_ = 	snop  }
0x3b: {  	_ = 	snop  }
0x3c: {  	p2 =	seq.s32 s10, $0x1;
	s10 =	sld [smem:$0x3FB7]  }
0x3d: {  	_ =	shalt  }
0x3e: {  	_ =	shalt  }
0x3f: {  	_ =	shalt  }
0x40: {  	_ =	shalt  }
0x41: {  	_ =	shalt  }
0x42: {  	_ =	shalt  }
0x43: {  	_ =	shalt  }
0x44: {  	_ =	shalt  }
0x45: {  	_ =	shalt  }
0x46: {  	_ =	shalt  }
0x47: {  	_ =	shalt  }
0x48: {  	_ =	shalt  }
0x49: {  	_ =	shalt  }
0x4a: {  	_ =	shalt  }
0x4b: {  	_ =	shalt  }
0x4c: {  	_ =	shalt  }
0x4d: {  	_ =	shalt  }
0x4e: {  	_ =	shalt  }
0x4f: {  	_ =	shalt  }
0x50: {  	_ =	shalt  }
0x51: {  	_ =	shalt  }
0x52: {  	_ =	shalt  }
0x53: {  	_ =	shalt  }
0x54: {  	_ =	shalt  }
0x55: {  	_ =	shalt  }
0x56: {  	_ =	shalt  }
0x57: {  	_ =	shalt  }
0x58: {  	_ =	shalt  }
0x59: {  	_ =	shalt  }
0x5a: {  	_ =	shalt  }
0x5b: {  	_ =	shalt  }
0x5c: {  	_ =	shalt  }
0x5d: {  	_ =	shalt  }
0x5e: {  	_ =	shalt  }
0x5f: {  	_ =	shalt  }
0x60: {  	_ =	shalt  }
0x61: {  	_ =	shalt  }
0x62: {  	_ =	shalt  }
0x63: {  	_ =	shalt  }
0x64: {  	_ =	shalt  }
0x65: {  	_ =	shalt  }
0x66: {  	_ =	shalt  }
0x67: {  	_ =	shalt  }
0x68: {  	_ =	shalt  }
0x69: {  	_ =	shalt  }
0x6a: {  	_ =	shalt  }
0x6b: {  	_ =	shalt  }
0x6c: {  	_ =	shalt  }
0x6d: {  	_ =	shalt  }
0x6e: {  	_ =	shalt  }
0x6f: {  	_ =	shalt  }
0x70: {  	_ =	shalt  }
0x71: {  	_ =	shalt  }
0x72: {  	_ =	shalt  }
0x73: {  	_ =	shalt  }
0x74: {  	_ =	shalt  }
0x75: {  	_ =	shalt  }
0x76: {  	_ =	shalt  }
0x77: {  	_ =	shalt  }
0x78: {  	_ =	shalt  }
0x79: {  	_ =	shalt  }
0x7a: {  	_ =	shalt  }
0x7b: {  	_ =	shalt  }
0x7c: {  	_ =	shalt  }
0x7d: {  	_ =	shalt  }
0x7e: {  	_ =	shalt  }
0x7f: {  	_ =	shalt  }
0x80: {  	_ =	shalt  }
0x81: {  	_ =	shalt  }
0x82: {  	_ =	shalt  }
0x83: {  	_ =	shalt  }
0x84: {  	_ =	shalt  }
0x85: {  	_ =	shalt  }
0x86: {  	_ =	shalt  }
0x87: {  	_ =	shalt  }
.Lfunc_end0:
.L_simem_size_0:
called_computation_lowered:
.L_overlay_start_0:
0x88: {  	s2 =	sld [smem:$0x3FD9]  }
0x89: {  	s3 =	sld [smem:$0x3FFE];
	_ =	sdelay $0x1  }
0x8a: {  	s1 =	srdreg.scid  }
0x8b: {  	s0 =	sand.u32 $0x1, s1  }
0x8c: {  	s17 =	sshll.u32 s0, $0xA;
	s2 =	sadd.s32 s3, s2  }
0x8d: {  	s2 =	sadd.s32 s2, s17  }
0x8e: {  	[smem:$0x3FC3] =	sst s2  }
0x8f: {  	_ = 	snop  }
0x90: {  	s2 =	sld [smem:$0x3FD0];
	(tm) =	ssettm $0x1  }
0x91: {  	s18 =	sld [smem:$0x3FFB];
	_ =	sdelay $0x3  }
0x92: {  	_ =	strace s18  }
0x93: {  	s3 =	sld [smem:$0x3FFC];
	_ =	sdelay $0x3  }
0x94: {  	_ =	strace s3  }
0x95: {  	s3 =	sld [smem:$0x3FFD];
	_ =	sdelay $0x3  }
0x96: {  	_ =	strace s3  }
0x97: {  	_ =	strace $0x8FFFFFFF  }
0x98: {  	s19 =	sld [smem:$0x3FDB];
	_ =	sdelay $0x1  }
0x99: {  	s4 =	simm.s32 $_scs_section_size  }
0x9a: {  	s5 =	simm.s32 $_size__tile_overlayer_lowered;
	s6 =	simm.s32 $_tile_overlayer_lowered  }
0x9b: {  	s22 =	simm.s32 $0x1BFF;
	s21 =	sshll.u32 s6, $0x1;
	s3 =	sadd.s32 s4, s19  }
0x9c: {  	s7 =	simm.s32 $0x0;
	s20 =	sshll.u32 s5, $0x1;
	s5 =	sadd.s32 s21, s3  }
0x9d: {  	[timem:s7], [sflag:s22] =	dma.local [hbm:s5], s20  }
0x9e: {  	_ =	swait.ge [sflag:s22], s20  }
0x9f: {  	s4 =	ssub.s32 $0x0, s20;
	[sflag:s22] =	ssyncset.done $0x0  }
0xa0: {  	[sflag:s22] =	ssyncadd.s32 s4;
	_ =	sdelay $0x1  }
0xa1: {  	s23 =	simm.s32 $0x1B8B  }
0xa2: {  	_ =	swait.ge [sflag:s23], $0x1  }
0xa3: {  	[sflag:s23] =	ssyncset.done $0x0  }
0xa4: {  	s25 =	simm.s32 $0x1B8E;
	s24 =	sld [smem:$0x3FFE];
	[sflag:s23] =	ssyncadd.s32 $0xFFFFFFFF  }
0xa5: {  	s26 =	simm.s32 $execute0_lowered;
	[smem:$0x3FD2] =	sst s25  }
0xa6: {  	s5 =	sshll.u32 s26, $0x1;
	_ =	strace $0x80000046;
	[dreg:$0x1] =	wrdreg $0xFFFFFFFF  }
0xa7: {  	s28 =	simm.s32 $_size_execute0_lowered;
	s3 =	sadd.s32 s3, s5;
	[dreg:$0x0] =	wrdreg $0x0  }
0xa8: {  	s5 =	sshll.u32 s28, $0x1;
	[dreg:$0x2] =	wrdreg s3  }
0xa9: {  	[dreg:$0x3] =	wrdreg s5  }
0xaa: {  	[dreg:$0x4] =	wrdreg $0xC0  }
0xab: {  	_ =	task [dreg:s7], $0x5FFFF  }
0xac: {  	[dreg:$0x1] =	wrdreg $0xFFFFFFFF  }
0xad: {  	[dreg:$0x0] =	wrdreg $0x60  }
0xae: {  	[dreg:$0x2] =	wrdreg s2  }
0xaf: {  	[dreg:$0x3] =	wrdreg s24  }
0xb0: {  	[dreg:$0x4] =	wrdreg $0x9  }
0xb1: {  	_ =	task.clear_ibuf [dreg:s7], $0x5FFFF;
	_ =	strace $0x90000046  }
0xb2: {  	s29 =	simm.s32 $0x9;
	_ =	strace $0x80000048  }
0xb3: {  	_ =	swait.ge [sflag:s29], $0x1  }
0xb4: {  	[sflag:s29] =	ssyncadd.s32 $0xFFFFFFFF  }
0xb5: {  	_ =	strace $0x90000048  }
0xb6: {  	_ =	sfence  }
0xb7: {  	s30 =	sld [smem:$0x0];
	_ =	sdelay $0x2  }
0xb8: {  	s31 =	sshll.u32 s1, $0xD;
	s1 =	sshrl.u32 s1, $0x2  }
0xb9: {  	s3 =	sand.u32 $0x4000, s31;
	s1 =	sadd.s32 s1, s30  }
0xba: {  	s0 =	sor.u32 s3, s0;
	s1 =	sshll.u32 s1, $0x11  }
0xbb: {  	s0 =	sor.u32 s1, s0  }
0xbc: {  	s0 =	sadd.s32 $0x8F2B, s0  }
0xbd: {  	[sflag:s0] =	ssyncadd.remote.s32 $0x1  }
0xbe: {  	_ =	sfence.sel $0xFFFF  }
0xbf: {  	[dreg:$0x0] =	wrdreg $0xFFFFFFFF;
	(pc) =	sbr.abs _section_cstart, $3  }
0xc0: {  	[dreg:$0x1] =	wrdreg $0xFFFFFFFF  }
0xc1: {  	_ =	task.clear_ibuf [dreg:s7], $0x2FFFF;
	_ =	strace $0x9FFFFFFF  }
0xc2: {  	(tm) =	ssettm $0x7FFFFFFF  }
0xc3: {  	_ =	shalt  }
tec
execute0_lowered:
.L_overlay_start_1:
0x0: {  	(tag) =	ssettag $0x1  }
0x1: {  	s0 =	srdreg.scid  }
0x2: {  	s2 =	stileid.u32;
	s1 =	sand.u32 $0x1, s0  }
0x3: {  	s2 =	sshll.u32 s2, $0x1;
	s3 =	ssub.s32 $0x0, s1  }
0x4: {  	p0 =	sne.s32 s2, s3  }
.Ltmp0:
0x5: {  	_ = 	snop;
	(pc) =	sbr.rel @p0 .LBB2_9-.Ltmp0, $2  }
0x6: {  	_ =	sdelay $0x2  }
0x7: {  	s0 =	rddreg [dreg:$0x1];
	_ =	strace $0x80000047  }
0x8: {  	s2 =	sadd.s32 $0x1800, s0;
	s28 =	sadd.s32 $0x1A00, s0;
	s1 =	ssub.s32 $0x2, s1  }
0x9: {  	s29 =	sadd.s32 $0x1C00, s0;
	s30 =	sadd.s32 $0x2600, s0;
	s3 =	sadd.s32 $0x1E00, s0  }
0xa: {  	s8 =	sadd.s32 $0x2200, s0;
	s9 =	sadd.s32 $0x2800, s0;
	[dreg:$0x3] =	wrdreg s2  }
0xb: {  	s11 =	simm.s32 $0x0;
	s12 =	simm.s32 $0x1;
	[dreg:$0x4] =	wrdreg s28  }
0xc: {  	s16 =	simm.s32 $0x2000;
	[dreg:$0x5] =	wrdreg s29;
	s31 =	sshrl.u32 s1, $0x1  }
0xd: {  	v0 =	vlaneseq.u32;
	s17 =	simm.s32 $0x3800;
	[dreg:$0x6] =	wrdreg s30;
	s1 =	ssub.s32 s1, s31  }
0xe: {  	v1 =	vimm.s32 $0x0;
	v2 =	vimm.f32 $0.0e+00;
	s20 =	simm.s32 $0x0;
	[dreg:$0x7] =	wrdreg s3;
	v3 =	vor.u32 $0x10, v0;
	s10 =	smax.u32 s1, $0x1  }
.LBB2_2:
0xf: {  	s0 =	rddreg [dreg:$0x0]  }
0x10: {  	[tilespmem:s11], [sflag:$0x1] =	stream.linear.gather [hbm4b:s0+s11], $0x800, $0x38;
	[tilespmem:$0x6080] =	vst v63  }
0x11: {  	_ =	swait.ge [sflag:s12], $0x800  }
0x12: {  	[sflag:s12] =	ssyncset.done $0x0  }
0x13: {  	s1 =	simm.s32 $0x800;
	s25 =	rddreg [dreg:$0x3];
	[sflag:s12] =	ssyncadd.s32 $0xFFFFF800  }
0x14: {  	[tilespmem:s1], [sflag:$0x1] =	stream.linear.gather [hbm4b:s25+s11], $0x800, $0x38;
	[tilespmem:$0x6080] =	vst v63  }
0x15: {  	_ =	swait.ge [sflag:s12], $0x800  }
0x16: {  	[sflag:s12] =	ssyncset.done $0x0  }
0x17: {  	s28 =	simm.s32 $0x1000;
	s26 =	rddreg [dreg:$0x4];
	[sflag:s12] =	ssyncadd.s32 $0xFFFFF800  }
0x18: {  	[tilespmem:s28], [sflag:$0x1] =	stream.linear.gather [hbm4b:s26+s11], $0x800, $0x38;
	[tilespmem:$0x6080] =	vst v63  }
0x19: {  	_ =	swait.ge [sflag:s12], $0x800  }
0x1a: {  	[sflag:s12] =	ssyncset.done $0x0  }
0x1b: {  	s30 =	simm.s32 $0x1800;
	s29 =	rddreg [dreg:$0x5];
	[sflag:s12] =	ssyncadd.s32 $0xFFFFF800  }
0x1c: {  	[tilespmem:s30], [sflag:$0x1] =	stream.linear.gather [hbm4b:s29+s11], $0x800, $0x38;
	[tilespmem:$0x6080] =	vst v63  }
0x1d: {  	_ =	swait.ge [sflag:s12], $0x800  }
0x1e: {  	[sflag:s12] =	ssyncset.done $0x0  }
0x1f: {  	s31 =	simm.s32 $0x0;
	[sflag:s12] =	ssyncadd.s32 $0xFFFFF800  }
0x20: {  	v5 =	vld [tilespmem:s31+$0x0];
	_ =	sdelay $0x1  }
0x21: {  	v9 =	vimm.s32 $0x0  }
0x22: {  	v6 =	vimm.s32 $0x0;
	v7 =	vimm.s32 $0x0;
	v8 =	vimm.s32 $0x0  }
0x23: {  	v10 =	vimm.s32 $0x0;
	v11 =	vimm.s32 $0x0;
	v12 =	vimm.s32 $0x0  }
0x24: {  	vm2 =	veq.s32 v5, $0x0;
	vm3 =	veq.s32 v5, $0x1;
	vm4 =	veq.s32 v5, $0x7  }
0x25: {  	vm0 =	veq.s32 v5, $0x2;
	vm1 =	veq.s32 v5, $0x3;
	v4 =	vsel vm4, $0x1, v1  }
0x26: {  	s0 =	simm.s32 $0x80;
	s1 =	simm.s32 $0x10;
	vm5 =	veq.s32 v5, $0x4;
	vm4 =	veq.s32 v5, $0x5;
	v4 =	vadd.s32 v4, v1  }
.LBB2_3:
0x27: {  	p0 =	sne.s32 s0, $0x3FC0;
	v13 =	vsel vm2, $0x1, v1;
	v14 =	vsel vm3, $0x1, v1;
	vm2 =	veq.s32 v5, $0x6;
	v5 =	vld [tilespmem:s1+$0x0]  }
0x28: {  	v15 =	vsel vm0, $0x1, v1;
	v16 =	vsel vm1, $0x1, v1;
	v17 =	vsel vm5, $0x1, v1  }
0x29: {  	v9 =	vadd.s32 v13, v9;
	v13 =	vsel vm4, $0x1, v1;
	v18 =	vsel vm2, $0x1, v1  }
.Ltmp1:
0x2a: {  	v6 =	vadd.s32 v14, v6;
	v7 =	vadd.s32 v15, v7;
	v8 =	vadd.s32 v16, v8;
	(pc) =	sbr.rel @p0 .LBB2_3-.Ltmp1, $4  }
0x2b: {  	v10 =	vadd.s32 v17, v10;
	v11 =	vadd.s32 v13, v11;
	v12 =	vadd.s32 v18, v12  }
0x2c: {  	vm2 =	veq.s32 v5, $0x0;
	vm3 =	veq.s32 v5, $0x1;
	vm4 =	veq.s32 v5, $0x7  }
0x2d: {  	vm0 =	veq.s32 v5, $0x2;
	vm1 =	veq.s32 v5, $0x3;
	v13 =	vsel vm4, $0x1, v1  }
0x2e: {  	s1 =	sshra.s32 s0, $0x2;
	s0 =	sadd.s32 $0x40, s0;
	vm5 =	veq.s32 v5, $0x4;
	vm4 =	veq.s32 v5, $0x5;
	v4 =	vadd.s32 v13, v4  }
0x2f: {  	v13 =	vld [tilespmem:s1+$0x0];
	v14 =	vsel vm2, $0x1, v1;
	v15 =	vsel vm3, $0x1, v1;
	vm7 =	veq.s32 v5, $0x6  }
0x30: {  	v5 =	vsel vm0, $0x1, v1;
	v16 =	vsel vm1, $0x1, v1;
	v17 =	vsel vm5, $0x1, v1  }
0x31: {  	v58 =	vsel vm4, $0x1, v1;
	v9 =	vadd.s32 v14, v9;
	v18 =	vsel vm7, $0x1, v1  }
0x32: {  	v6 =	vadd.s32 v15, v6;
	v5 =	vadd.s32 v5, v7;
	v59 =	vadd.s32 v16, v8  }
0x33: {  	v60 =	vadd.s32 v17, v10;
	v14 =	vadd.s32 v58, v11;
	v12 =	vadd.s32 v18, v12  }
0x34: {  	vm8 =	veq.s32 v13, $0x0;
	vm9 =	veq.s32 v13, $0x1;
	vm10 =	veq.s32 v13, $0x7  }
0x35: {  	vm11 =	veq.s32 v13, $0x2;
	vm12 =	veq.s32 v13, $0x3;
	vm13 =	veq.s32 v13, $0x4  }
0x36: {  	vm14 =	veq.s32 v13, $0x5;
	vm15 =	veq.s32 v13, $0x6;
	v7 =	vsel vm10, $0x1, v1  }
0x37: {  	v8 =	vsel vm9, $0x1, v1;
	v10 =	vsel vm11, $0x1, v1;
	v11 =	vsel vm12, $0x1, v1  }
0x38: {  	v61 =	vsel vm13, $0x1, v1;
	v62 =	vsel vm14, $0x1, v1;
	v63 =	vsel vm15, $0x1, v1  }
0x39: {  	v4 =	vadd.s32 v7, v4;
	v7 =	vsel vm8, $0x1, v1;
	v8 =	vadd.s32 v8, v6  }
0x3a: {  	v6 =	vadd.s32 v63, v12;
	v7 =	vadd.s32 v7, v9;
	v9 =	vadd.s32 v10, v5  }
0x3b: {  	s1 =	simm.s32 $0x40;
	s0 =	simm.s32 $0x0;
	v10 =	vadd.s32 v11, v59;
	v11 =	vadd.s32 v61, v60;
	v5 =	vadd.s32 v62, v14  }
.LBB2_5:
0x3c: {  	p0 =	sne.s32 s1, $0x5FC0;
	[tilespmem:s0+$0x2000] =	vst v1;
	s2 =	smov.u32 s1;
	s1 =	sadd.s32 $0x40, s1  }
.Ltmp2:
0x3d: {  	[tilespmem:s0+$0x3800] =	vst v2;
	(pc) =	sbr.rel @p0 .LBB2_5-.Ltmp2, $2  }
0x3e: {  	_ =	sdelay $0x2  }
0x3f: {  	s0 =	sshra.s32 s2, $0x2  }
0x40: {  	(xrf0) =	vadd.scan.msk.s32 $0xffff, v7;
	_ =	sdelay $0x4  }
0x41: {  	(xrf0) =	vadd.scan.msk.s32 $0xffff, v8  }
0x42: {  	(xrf0) =	vadd.scan.msk.s32 $0xffff, v9;
	v7, _, _ =	vpop (xrf0)  }
0x43: {  	(xrf0) =	vadd.scan.msk.s32 $0xffff, v10;
	(v2sf) =	vpush v7, $0xF  }
0x44: {  	(xrf0) =	vadd.scan.msk.s32 $0xffff, v11;
	_ =	sdelay $0x2  }
0x45: {  	v7, _, _ =	vpop (xrf0)  }
0x46: {  	(v2sf) =	vpush v7, $0xF;
	v7, _, _ =	vpop (xrf0)  }
0x47: {  	(v2sf) =	vpush v7, $0xF;
	v7, _, _ =	vpop (xrf0)  }
0x48: {  	(v2sf) =	vpush v7, $0xF;
	v7, _, _ =	vpop (xrf0);
	(xrf0) =	vadd.scan.msk.s32 $0xffff, v5  }
0x49: {  	(xrf0) =	vadd.scan.msk.s32 $0xffff, v6;
	_ =	sdelay $0x1  }
0x4a: {  	(v2sf) =	vpush v7, $0xF;
	_ =	sdelay $0x2  }
0x4b: {  	v5, _, _ =	vpop (xrf0)  }
0x4c: {  	(v2sf) =	vpush v5, $0xF;
	v5, _, _ =	vpop (xrf0)  }
0x4d: {  	s1 =	spop (v2sf);
	(v2sf) =	vpush v5, $0xF;
	_ =	sdelay $0x1  }
0x4e: {  	[tilespmem:s0+$0x2000] =	vst v1  }
0x4f: {  	[tilespmem:s0+$0x3800] =	vst v2;
	s31 =	simm.s32 $0x0  }
0x50: {  	v8 =	vld [tilespmem:s31+$0x0];
	_ =	sdelay $0x2  }
0x51: {  	s2 =	spop (v2sf)  }
0x52: {  	s5 =	sadd.s32 $0xFF, s1;
	s3 =	spop (v2sf)  }
0x53: {  	vm2 =	veq.s32 v8, $0x3;
	s21 =	sshra.s32 s5, $0x8;
	s2 =	sadd.s32 $0xFF, s2;
	s4 =	spop (v2sf)  }
0x54: {  	vm1 =	veq.s32 v8, $0x5;
	v9 =	vsel vm2, $0x1, v1;
	s2 =	sshra.s32 s2, $0x8;
	s3 =	sadd.s32 $0xFF, s3;
	s15 =	spop (v2sf)  }
0x55: {  	vm5 =	veq.s32 v8, $0x0;
	v13 =	vsel vm1, $0x1, v1;
	(xrf0) =	vadd.scan.msk.s32 $0xffff, v9;
	s4 =	sadd.s32 $0xFF, s4;
	s3 =	sshra.s32 s3, $0x8;
	s25 =	sadd.s32 s21, s2  }
0x56: {  	vm4 =	veq.s32 v8, $0x1;
	vm0 =	veq.s32 v8, $0x7;
	v9 =	vsel vm5, $0x1, v1;
	(xrf0) =	vadd.scan.msk.s32 $0xffff, v13;
	s4 =	sshra.s32 s4, $0x8;
	s18 =	sadd.s32 $0xFF, s15;
	s23 =	sadd.s32 s3, s25  }
0x57: {  	vm3 =	veq.s32 v8, $0x6;
	vm7 =	veq.s32 v8, $0x2;
	v13 =	vsel vm4, $0x1, v1;
	(xrf0) =	vadd.scan.msk.s32 $0xffff, v9;
	s2 =	sand.u32 $0xFFFFFF00, s5;
	s0 =	sshra.s32 s18, $0x8;
	s24 =	sadd.s32 s4, s23  }
0x58: {  	vm6 =	veq.s32 v8, $0x4;
	v15 =	vsel vm0, $0x1, v1;
	v14 =	vsel vm7, $0x1, v1;
	(xrf0) =	vadd.scan.msk.s32 $0xffff, v13;
	s1 =	sshll.u32 s23, $0x8;
	s22 =	sadd.s32 s0, s24;
	s19 =	spop (v2sf)  }
0x59: {  	v6 =	vmov s31;
	(xrf0) =	vadd.scan.msk.s32 $0xffff, v14;
	v14 =	vsel vm3, $0x1, v1;
	v5 =	vmov s1;
	s14 =	sshll.u32 s24, $0x8;
	s3 =	sadd.s32 $0xFF, s19;
	s26 =	spop (v2sf)  }
0x5a: {  	s0 =	sshll.u32 s22, $0x8;
	v10 =	vadd.s32 $0xFFFFFFFF, v5;
	v5 =	vadd.s32 $0xFFFFFFFF, v6;
	v6 =	vmov s2;
	s3 =	sshra.s32 s3, $0x8;
	s4 =	sadd.s32 $0xFF, s26  }
0x5b: {  	v12 =	vmov s14;
	v7 =	vmov s0;
	v5 =	vbroadcast v5, $0x0;
	s26 =	sadd.s32 s3, s22;
	s4 =	sshra.s32 s4, $0x8  }
0x5c: {  	s13 =	sshll.u32 s25, $0x8;
	v9 =	vadd.s32 $0xFFFFFFFF, v12;
	v12 =	vsel vm6, $0x1, v1;
	v11 =	vadd.s32 $0xFFFFFFFF, v7;
	s28 =	sadd.s32 s4, s26  }
0x5d: {  	s30 =	simm.s32 $0x1000;
	v10 =	vbroadcast v10, $0x0;
	v7 =	vadd.s32 $0xFFFFFFFF, v6;
	v6 =	vmov s13;
	s18 =	sshll.u32 s26, $0x8;
	s19 =	sshll.u32 s28, $0x8  }
0x5e: {  	s29 =	simm.s32 $0x5000;
	s6 =	simm.s32 $0x0;
	s5 =	simm.s32 $0x10;
	(xrf0) =	vadd.scan.msk.s32 $0xffff, v12;
	v6 =	vadd.s32 $0xFFFFFFFF, v6;
	v8 =	vmov s18;
	v16 =	vmov s19  }
0x5f: {  	s15 =	simm.s32 $0x0;
	s3 =	simm.s32 $0x1000;
	s4 =	simm.s32 $0x5000;
	v13 =	vadd.s32 $0xFFFFFFFF, v8;
	v8 =	vbroadcast v11, $0x0;
	v11, _, _ =	vpop (xrf0);
	(xrf0) =	vadd.scan.msk.s32 $0xffff, v15;
	v12 =	vadd.s32 $0xFFFFFFFF, v16  }
.LBB2_7:
0x60: {  	v13 =	vbroadcast v13, $0x0;
	v12 =	vbroadcast v12, $0x0;
	s31 =	sadd.s32 $0x10, s31;
	s3 =	sadd.s32 $0x10, s3;
	s4 =	sadd.s32 $0x10, s4;
	(v2sf) =	vpush v11, $0xF;
	v15, _, _ =	vpop (xrf0);
	(xrf0) =	vadd.scan.msk.s32 $0xffff, v14  }
0x61: {  	p0 =	sne.s32 s5, $0xFF0;
	v17 =	vbroadcast v7, $0x0;
	v9 =	vbroadcast v9, $0x0;
	s7 =	smov.u32 s5;
	s5 =	sadd.s32 $0x10, s5;
	v14, _, _ =	vpop (xrf0);
	(v2sf) =	vpush v15, $0xF  }
0x62: {  	v6 =	vbroadcast v6, $0x0;
	v5 =	vadd.s32 v14, v5;
	(v2sf) =	vpush v14, $0xF;
	v14, _, _ =	vpop (xrf0)  }
0x63: {  	v5 =	vnsel vm5, $0x0, v5;
	v16 =	vadd.s32 v14, v17;
	(v2sf) =	vpush v14, $0xF;
	v14, _, _ =	vpop (xrf0)  }
0x64: {  	v5 =	vsel vm4, v16, v5;
	v6 =	vadd.s32 v14, v6;
	(v2sf) =	vpush v14, $0xF;
	v7, _, _ =	vpop (xrf0)  }
0x65: {  	v5 =	vsel vm7, v6, v5;
	v6 =	vadd.s32 v11, v10;
	(v2sf) =	vpush v7, $0xF;
	v10, _, _ =	vpop (xrf0)  }
0x66: {  	v5 =	vsel vm2, v6, v5;
	v6 =	vadd.s32 v7, v9;
	v7, _, _ =	vpop (xrf0);
	(v2sf) =	vpush v10, $0xF  }
0x67: {  	v5 =	vsel vm6, v6, v5;
	v6 =	vadd.s32 v15, v8;
	(v2sf) =	vpush v7, $0xF  }
0x68: {  	v5 =	vsel vm1, v6, v5;
	v6 =	vadd.s32 v7, v13  }
0x69: {  	v5 =	vsel vm3, v6, v5;
	v6 =	vadd.s32 v10, v12  }
0x6a: {  	v5 =	vsel vm0, v6, v5  }
0x6b: {  	v6 =	vld [tilespmem:s30+$0x0];
	s30 =	smov.u32 s3;
	_ =	sdelay $0x1  }
0x6c: {  	v7 =	vor.u32 s15, v0;
	s15 =	smov.u32 s7  }
0x6d: {  	v7 =	vand.u32 $0x7FF, v7  }
0x6e: {  	[tilespmem:v5+s16+$0x0] =	vst.idx.msk $0xffff, v7;
	s7 =	spop (v2sf)  }
0x6f: {  	s1 =	sadd.s32 s1, s7;
	[tilespmem:v5+s17+$0x0] =	vst.idx.msk $0xffff, v6;
	s7 =	spop (v2sf)  }
0x70: {  	s0 =	sadd.s32 s0, s7;
	[tilespmem:s29+$0x0] =	vst v5;
	s7 =	spop (v2sf);
	s29 =	smov.u32 s4  }
0x71: {  	v5 =	vmov s1;
	v8 =	vld [tilespmem:s31+$0x0];
	v6 =	vmov s0;
	s6 =	sadd.s32 s6, s7;
	s7 =	spop (v2sf)  }
0x72: {  	v10 =	vadd.s32 $0xFFFFFFFF, v5;
	v7 =	vmov s6;
	v11 =	vadd.s32 $0xFFFFFFFF, v6;
	s2 =	sadd.s32 s2, s7;
	s7 =	spop (v2sf)  }
0x73: {  	v5 =	vadd.s32 $0xFFFFFFFF, v7;
	v6 =	vmov s2;
	s13 =	sadd.s32 s13, s7;
	s7 =	spop (v2sf)  }
0x74: {  	v5 =	vbroadcast v5, $0x0;
	v7 =	vadd.s32 $0xFFFFFFFF, v6;
	v6 =	vmov s13;
	s14 =	sadd.s32 s14, s7;
	s7 =	spop (v2sf)  }
0x75: {  	v6 =	vadd.s32 $0xFFFFFFFF, v6;
	v9 =	vmov s14;
	s19 =	sadd.s32 s19, s7;
	s7 =	spop (v2sf)  }
0x76: {  	vm4 =	veq.s32 v8, $0x1;
	vm2 =	veq.s32 v8, $0x3;
	vm1 =	veq.s32 v8, $0x5;
	s18 =	sadd.s32 s18, s7  }
0x77: {  	vm5 =	veq.s32 v8, $0x0;
	vm0 =	veq.s32 v8, $0x7;
	v12 =	vsel vm2, $0x1, v1  }
0x78: {  	vm3 =	veq.s32 v8, $0x6;
	v13 =	vsel vm1, $0x1, v1;
	v15 =	vsel vm0, $0x1, v1;
	(xrf0) =	vadd.scan.msk.s32 $0xffff, v12  }
0x79: {  	vm7 =	veq.s32 v8, $0x2;
	v16 =	vsel vm4, $0x1, v1;
	v12 =	vsel vm5, $0x1, v1;
	(xrf0) =	vadd.scan.msk.s32 $0xffff, v13  }
.Ltmp3:
0x7a: {  	v9 =	vadd.s32 $0xFFFFFFFF, v9;
	v17 =	vsel vm7, $0x1, v1;
	v14 =	vsel vm3, $0x1, v1;
	(xrf0) =	vadd.scan.msk.s32 $0xffff, v12;
	(pc) =	sbr.rel @p0 .LBB2_7-.Ltmp3, $4  }
0x7b: {  	vm6 =	veq.s32 v8, $0x4;
	v8 =	vmov s18;
	v12 =	vmov s19;
	(xrf0) =	vadd.scan.msk.s32 $0xffff, v16  }
0x7c: {  	v13 =	vadd.s32 $0xFFFFFFFF, v8;
	v16 =	vsel vm6, $0x1, v1;
	v12 =	vadd.s32 $0xFFFFFFFF, v12;
	(xrf0) =	vadd.scan.msk.s32 $0xffff, v17  }
0x7d: {  	(xrf0) =	vadd.scan.msk.s32 $0xffff, v16  }
0x7e: {  	v10 =	vbroadcast v10, $0x0;
	v8 =	vbroadcast v11, $0x0;
	v11, _, _ =	vpop (xrf0);
	(xrf0) =	vadd.scan.msk.s32 $0xffff, v15  }
0x7f: {  	(v2sf) =	vpush v11, $0xF;
	v15, _, _ =	vpop (xrf0);
	(xrf0) =	vadd.scan.msk.s32 $0xffff, v14  }
0x80: {  	v40, _, _ =	vpop (xrf0);
	(v2sf) =	vpush v15, $0xF;
	(xrf0) =	vadd.scan.msk.s32 $0xffff, v4  }
0x81: {  	(v2sf) =	vpush v40, $0xF;
	v4, _, _ =	vpop (xrf0)  }
0x82: {  	(v2sf) =	vpush v4, $0xF;
	v16, _, _ =	vpop (xrf0)  }
0x83: {  	(v2sf) =	vpush v16, $0xF;
	v17, _, _ =	vpop (xrf0)  }
0x84: {  	(v2sf) =	vpush v17, $0xF;
	v18, _, _ =	vpop (xrf0)  }
0x85: {  	v19, _, _ =	vpop (xrf0);
	(v2sf) =	vpush v18, $0xF  }
0x86: {  	(v2sf) =	vpush v19, $0xF;
	v20, _, _ =	vpop (xrf0)  }
0x87: {  	(v2sf) =	vpush v20, $0xF;
	_ =	sdelay $0x6  }
0x88: {  	s0 =	spop (v2sf)  }
0x89: {  	s0 =	spop (v2sf)  }
0x8a: {  	s0 =	spop (v2sf)  }
0x8b: {  	s0 =	spop (v2sf)  }
0x8c: {  	s0 =	spop (v2sf)  }
0x8d: {  	s0 =	spop (v2sf)  }
0x8e: {  	v7 =	vbroadcast v7, $0x0;
	s0 =	spop (v2sf)  }
0x8f: {  	v6 =	vbroadcast v6, $0x0;
	v5 =	vadd.s32 v40, v5;
	s0 =	spop (v2sf)  }
0x90: {  	v41 =	vbroadcast v9, $0x0;
	v4 =	vadd.s32 v4, v7;
	v5 =	vnsel vm5, $0x0, v5;
	s0 =	spop (v2sf)  }
0x91: {  	v44 =	vbroadcast v13, $0x0;
	v4 =	vsel vm4, v4, v5;
	v5 =	vadd.s32 v16, v6;
	s0 =	sadd.s32 $0xFF, s0  }
0x92: {  	v47 =	vbroadcast v12, $0x0;
	v42 =	vadd.s32 v11, v10;
	v4 =	vsel vm7, v5, v4;
	s0 =	sshra.s32 s0, $0x8  }
0x93: {  	v46 =	vadd.s32 v15, v8;
	v6 =	vadd.s32 v17, v41;
	v4 =	vsel vm2, v42, v4;
	s0 =	sadd.s32 s0, s28  }
0x94: {  	v5 =	vor.u32 s15, v0;
	v8 =	vadd.s32 v18, v47;
	v4 =	vsel vm6, v6, v4;
	s1 =	sadd.s32 $0xFFFFFFFF, s0  }
0x95: {  	v48 =	vadd.s32 v19, v44;
	v4 =	vsel vm1, v46, v4;
	v43 =	vmov s1  }
0x96: {  	v5 =	vand.u32 $0x7FF, v5;
	v4 =	vsel vm3, v48, v4;
	vm11 =	vlt.s32 v43, v0  }
0x97: {  	v4 =	vsel vm0, v8, v4;
	vm12 =	vlt.s32 v43, v3;
	v45 =	vsel vm11, s1, v0  }
0x98: {  	v9 =	vsel vm12, s1, v3;
	vm13 =	vge.s32 v45, s21;
	vm14 =	vge.s32 v45, s25  }
0x99: {  	vm15 =	vge.s32 v45, s23;
	vm4 =	vge.s32 v45, s24;
	vm5 =	vge.s32 v45, s22  }
0x9a: {  	vm6 =	vge.s32 v45, s26;
	vm7 =	vge.s32 v45, s28;
	vm8 =	vge.s32 v9, s21  }
0x9b: {  	vm9 =	vge.s32 v9, s25;
	vm10 =	vge.s32 v9, s23;
	vm11 =	vge.s32 v9, s24  }
0x9c: {  	vm12 =	vge.s32 v9, s22;
	v49 =	vsel vm13, $0x1, v1;
	v50 =	vsel vm14, $0x1, v1  }
0x9d: {  	v51 =	vsel vm15, $0x1, v1;
	v52 =	vsel vm4, $0x1, v1;
	v53 =	vsel vm5, $0x1, v1  }
0x9e: {  	v54 =	vsel vm6, $0x1, v1;
	v56 =	vsel vm8, $0x1, v1;
	v57 =	vsel vm9, $0x1, v1  }
0x9f: {  	v55 =	vld [tilespmem:s30+$0x0];
	v58 =	vsel vm10, $0x1, v1;
	v59 =	vsel vm11, $0x1, v1;
	v60 =	vsel vm12, $0x1, v1  }
0xa0: {  	vm13 =	vge.s32 v9, s26;
	v6 =	vadd.s32 v50, v49;
	v8 =	vadd.s32 v57, v56  }
0xa1: {  	vm14 =	vge.s32 v9, s28;
	v6 =	vadd.s32 v51, v6;
	v8 =	vadd.s32 v58, v8  }
0xa2: {  	v62 =	vsel vm7, $0x1, v1;
	v6 =	vadd.s32 v52, v6;
	v8 =	vadd.s32 v59, v8  }
0xa3: {  	[tilespmem:v4+s16+$0x0] =	vst.idx.msk $0xffff, v5;
	v61 =	vsel vm13, $0x1, v1;
	v6 =	vadd.s32 v53, v6;
	v5 =	vadd.s32 v60, v8  }
0xa4: {  	[tilespmem:v4+s17+$0x0] =	vst.idx.msk $0xffff, v55;
	v63 =	vsel vm14, $0x1, v1;
	v6 =	vadd.s32 v54, v6;
	v5 =	vadd.s32 v61, v5  }
0xa5: {  	[tilespmem:s29+$0x0] =	vst v4;
	vm15 =	veq.s32 v0, $0xF;
	v4 =	vadd.s32 v62, v6;
	v5 =	vadd.s32 v63, v5  }
0xa6: {  	[tilespmem:$0x6000] =	vst v4;
	v4 =	vsel vm15, s0, v5  }
0xa7: {  	s29 =	simm.s32 $0x6000;
	s28 =	rddreg [dreg:$0x6];
	[tilespmem:$0x6010] =	vst v4  }
0xa8: {  	[hbm4b:s28+s11] =	stream.linear.scatter [tilespmem:s29], [sflag:$0x1], $0x80, $0x38;
	[tilespmem:$0x6080] =	vst v63  }
0xa9: {  	_ =	swait.ge [sflag:s12], $0x80  }
0xaa: {  	[sflag:s12] =	ssyncset.done $0x0  }
0xab: {  	s30 =	rddreg [dreg:$0x7];
	[sflag:s12] =	ssyncadd.s32 $0xFFFFFF80  }
0xac: {  	[hbm4b:s30+s11] =	stream.linear.scatter [tilespmem:s16], [sflag:$0x1], $0x1800, $0x38;
	[tilespmem:$0x6080] =	vst v63  }
0xad: {  	_ =	swait.ge [sflag:s12], $0x1800  }
0xae: {  	[sflag:s12] =	ssyncset.done $0x0  }
0xaf: {  	[sflag:s12] =	ssyncadd.s32 $0xFFFFE800  }
0xb0: {  	[hbm4b:s8+s11] =	stream.linear.scatter [tilespmem:s17], [sflag:$0x1], $0x1800, $0x38;
	[tilespmem:$0x6080] =	vst v63  }
0xb1: {  	s20 =	sadd.s32 $0x1, s20;
	_ =	swait.ge [sflag:s12], $0x1800  }
0xb2: {  	p0 =	sne.s32 s20, s10;
	[sflag:s12] =	ssyncset.done $0x0  }
.Ltmp4:
0xb3: {  	s31 =	simm.s32 $0x5000;
	[sflag:s12] =	ssyncadd.s32 $0xFFFFE800;
	(pc) =	sbr.rel @p0 .LBB2_2-.Ltmp4, $4  }
0xb4: {  	[hbm4b:s9+s11] =	stream.linear.scatter [tilespmem:s31], [sflag:$0x1], $0x1000, $0x38;
	[tilespmem:$0x6080] =	vst v63  }
0xb5: {  	_ =	swait.ge [sflag:s12], $0x1000  }
0xb6: {  	[sflag:s12] =	ssyncset.done $0x0  }
0xb7: {  	[sflag:s12] =	ssyncadd.s32 $0xFFFFF000  }
.LBB2_9:
0xb8: {  	_ =	sfence.sel $0x180000  }
0xb9: {  	[bflag:$0x0] =	sbarrier.arrive $0xFFFF  }
0xba: {  	_ =	strace $0x90000047  }
0xbb: {  	s0 =	stileid.u32;
	[bflag:$0x2] =	sbarrier.arrive $0xFFFF  }
0xbc: {  	p0 =	sne.s32 s0, $0x0;
	s0 =	rddreg [dreg:$0x2]  }
0xbd: {  	s0 =	sadd.s32 @!p0 $0x100000, s0  }
0xbe: {  	[sflag:s0] =	ssyncadd.tile.s32 @!p0 $0x1;
	_ =	shalt  }
.Lfunc_end2:
_tile_overlayer_lowered:
.L_overlay_start_2:
0xbf: {  	(tag) =	ssettag $0x2  }
0xc0: {  	s0 =	rddreg [dreg:$0x0];
	s2 =	stileid.u32  }
0xc1: {  	s1 =	rddreg [dreg:$0x1];
	p0 =	sne.s32 s2, $0x0  }
0xc2: {  	s3 =	rddreg [dreg:$0x2];
	[bflag:$0x3] =	sbarrier.arrive $0xFFFF;
	s2 =	simm.s32 @!p0 $0x1C01  }
0xc3: {  	[timem:s3], [sflag:s2] =	dma.local @!p0 [hbm:s0], s1  }
0xc4: {  	s0 =	simm.s32 @!p0 $0x1  }
0xc5: {  	_ =	swait.ge @!p0 [sflag:s0], s1  }
0xc6: {  	s1 =	ssub.s32 @!p0 $0x0, s1;
	[sflag:s0] =	ssyncset.done @!p0 $0x0  }
0xc7: {  	[sflag:s0] =	ssyncadd.s32 @!p0 s1  }
0xc8: {  	[bflag:$0x3] =	sbarrier.arrive $0xFFFF  }
0xc9: {  	_ =	shalt  }

// kernel: kernel.9.cloned.1.call-start
scs
__scs_entry_jumppad:
0x0: {  	(pc) =	sbr.rel $0x88, $3  }
0x1: {  	(tag) =	ssettag $0x0;
	lr =	simm.s32 $0x1  }
0x2: {  	[smem:$0x3F9C] =	sst lr;
	_ =	strace $0xD0000000  }
0x3: {  	_ = 	snop  }
0x4: {  	_ = 	snop  }
0x5: {  	_ = 	snop  }
0x6: {  	_ = 	snop  }
0x7: {  	_ = 	snop  }
__scs_overlays_trampoline_lowered:
0x8: {  	[smem:$0x3FAB] =	sst s0  }
0x9: {  	[smem:$0x3FAC] =	sst s1  }
0xa: {  	[smem:$0x3FAD] =	sst s2  }
0xb: {  	[smem:$0x3FAE] =	sst s3  }
0xc: {  	[smem:$0x3FAF] =	sst s4  }
0xd: {  	[smem:$0x3FB0] =	sst s5  }
0xe: {  	[smem:$0x3FB1] =	sst s6  }
0xf: {  	[smem:$0x3FB2] =	sst s7  }
0x10: {  	[smem:$0x3FB3] =	sst s8  }
0x11: {  	[smem:$0x3FB4] =	sst s9;
	s0 =	simm.s32 @!p0 $0x0  }
0x12: {  	s1 =	sld [smem:$0x3F9A];
	s0 =	simm.s32 @p0 $0x1  }
0x13: {  	[smem:$0x3FB5] =	sst s0;
	s0 =	simm.s32 @!p1 $0x0  }
0x14: {  	s2 =	sld [smem:$0x3F99];
	s0 =	simm.s32 @p1 $0x1  }
0x15: {  	[smem:$0x3FB6] =	sst s0;
	s0 =	simm.s32 @!p2 $0x0  }
0x16: {  	s3 =	sld [smem:$0x3FDB];
	s0 =	simm.s32 @p2 $0x1  }
0x17: {  	s4 =	simm.s32 $0x1BF5;
	[smem:$0x3FB8] =	sst s0  }
0x18: {  	s0 =	sld [smem:$0x3F9B];
	_ =	swait.ge [sflag:s4], $0x0  }
0x19: {  	s7 =	sld [smem:$0x3F9C]  }
0x1a: {  	s8 =	sadd.s32 $0xFFFFE003, lr  }
0x1b: {  	s9 =	sadd.s32 $0xFFFFFEF7, lr;
	s5 =	simm.s32 $0xFFFFFFFF;
	p2 =	slt.u32 s8, $0xFFFFF086  }
0x1c: {  	p1 =	slt.u32 s9, $0xF7A;
	s5 =	simm.s32 @!p2 $0x0  }
0x1d: {  	s5 =	simm.s32 @p1 $0x1;
	p0 =	seq.s32 s7, s2  }
0x1e: {  	s7 =	smul.u32 @!p0 $0xF7A, s2;
	p2 =	seq.s32 @!p0 s5, $0x0  }
0x1f: {  	s9 =	smul.u32 $0xF7A, s1;
	s8 =	simm.s32 @!p0 $0x1BF5;
	p2 =	por !p2, p0  }
0x20: {  	[sflag:s8] =	ssyncset.s32 @!p0 $0xFFFFF086;
	s6 =	sadd.s32 @!p0 s3, s7;
	s7 =	simm.s32 @!p0 $0x108  }
0x21: {  	s3 =	sadd.s32 s3, s9;
	s6 =	sadd.s32 @!p0 $0x88, s6;
	s7 =	simm.s32 @p2 $0x1082  }
0x22: {  	[simem:s7], [sflag:s8] =	dma.local @!p0 [hbm:s6], $0xF7A  }
0x23: {  	s9 =	sor.u32 $0xD0000000, s2;
	s6 =	simm.s32 $0x108;
	_ =	swait.ge @!p0 [sflag:s8], $0x0  }
0x24: {  	s3 =	sadd.s32 $0x88, s3;
	s6 =	simm.s32 @!p1 $0x1082;
	[sflag:s4] =	ssyncset.s32 $0xFFFFF086  }
0x25: {  	[simem:s6], [sflag:s4] =	dma.local [hbm:s3], $0xF7A  }
0x26: {  	[smem:$0x3F9C] =	sst s1;
	(tag) =	ssettag s2;
	_ =	strace s9  }
0x27: {  	s1 =	sld [smem:$0x3FAC]  }
0x28: {  	s2 =	sld [smem:$0x3FAD]  }
0x29: {  	s4 =	sld [smem:$0x3FAF]  }
0x2a: {  	p0 =	seq.s32 s5, $0x0;
	s5 =	sld [smem:$0x3FB0]  }
0x2b: {  	s6 =	sld [smem:$0x3FB1]  }
0x2c: {  	s7 =	sld [smem:$0x3FB2]  }
0x2d: {  	s3 =	simm.s32 $0x108;
	s8 =	sld [smem:$0x3FB3]  }
0x2e: {  	s3 =	simm.s32 @!p0 $0x1082;
	s9 =	sld [smem:$0x3FB4]  }
0x2f: {  	lr =	sadd.s32 s0, s3;
	s0 =	sld [smem:$0x3FAB]  }
0x30: {  	s3 =	sld [smem:$0x3FAE]  }
0x31: {  	[smem:$0x3FB7] =	sst s10  }
0x32: {  	s10 =	sld [smem:$0x3FB5];
	_ =	sdelay $0x3  }
0x33: {  	p0 =	seq.s32 s10, $0x1;
	s10 =	sld [smem:$0x3FB7];
	_ =	sdelay $0x3  }
0x34: {  	[smem:$0x3FB7] =	sst s10  }
0x35: {  	s10 =	sld [smem:$0x3FB6];
	_ =	sdelay $0x3  }
0x36: {  	p1 =	seq.s32 s10, $0x1;
	s10 =	sld [smem:$0x3FB7];
	_ =	sdelay $0x3  }
0x37: {  	[smem:$0x3FB7] =	sst s10  }
0x38: {  	s10 =	sld [smem:$0x3FB8]  }
0x39: {  	_ = 	snop;
	(pc) =	sbr.ind lr, $3  }
0x3a: {  	_ = 	snop  }
0x3b: {  	_ = 	snop  }
0x3c: {  	p2 =	seq.s32 s10, $0x1;
	s10 =	sld [smem:$0x3FB7]  }
0x3d: {  	_ =	shalt  }
0x3e: {  	_ =	shalt  }
0x3f: {  	_ =	shalt  }
0x40: {  	_ =	shalt  }
0x41: {  	_ =	shalt  }
0x42: {  	_ =	shalt  }
0x43: {  	_ =	shalt  }
0x44: {  	_ =	shalt  }
0x45: {  	_ =	shalt  }
0x46: {  	_ =	shalt  }
0x47: {  	_ =	shalt  }
0x48: {  	_ =	shalt  }
0x49: {  	_ =	shalt  }
0x4a: {  	_ =	shalt  }
0x4b: {  	_ =	shalt  }
0x4c: {  	_ =	shalt  }
0x4d: {  	_ =	shalt  }
0x4e: {  	_ =	shalt  }
0x4f: {  	_ =	shalt  }
0x50: {  	_ =	shalt  }
0x51: {  	_ =	shalt  }
0x52: {  	_ =	shalt  }
0x53: {  	_ =	shalt  }
0x54: {  	_ =	shalt  }
0x55: {  	_ =	shalt  }
0x56: {  	_ =	shalt  }
0x57: {  	_ =	shalt  }
0x58: {  	_ =	shalt  }
0x59: {  	_ =	shalt  }
0x5a: {  	_ =	shalt  }
0x5b: {  	_ =	shalt  }
0x5c: {  	_ =	shalt  }
0x5d: {  	_ =	shalt  }
0x5e: {  	_ =	shalt  }
0x5f: {  	_ =	shalt  }
0x60: {  	_ =	shalt  }
0x61: {  	_ =	shalt  }
0x62: {  	_ =	shalt  }
0x63: {  	_ =	shalt  }
0x64: {  	_ =	shalt  }
0x65: {  	_ =	shalt  }
0x66: {  	_ =	shalt  }
0x67: {  	_ =	shalt  }
0x68: {  	_ =	shalt  }
0x69: {  	_ =	shalt  }
0x6a: {  	_ =	shalt  }
0x6b: {  	_ =	shalt  }
0x6c: {  	_ =	shalt  }
0x6d: {  	_ =	shalt  }
0x6e: {  	_ =	shalt  }
0x6f: {  	_ =	shalt  }
0x70: {  	_ =	shalt  }
0x71: {  	_ =	shalt  }
0x72: {  	_ =	shalt  }
0x73: {  	_ =	shalt  }
0x74: {  	_ =	shalt  }
0x75: {  	_ =	shalt  }
0x76: {  	_ =	shalt  }
0x77: {  	_ =	shalt  }
0x78: {  	_ =	shalt  }
0x79: {  	_ =	shalt  }
0x7a: {  	_ =	shalt  }
0x7b: {  	_ =	shalt  }
0x7c: {  	_ =	shalt  }
0x7d: {  	_ =	shalt  }
0x7e: {  	_ =	shalt  }
0x7f: {  	_ =	shalt  }
0x80: {  	_ =	shalt  }
0x81: {  	_ =	shalt  }
0x82: {  	_ =	shalt  }
0x83: {  	_ =	shalt  }
0x84: {  	_ =	shalt  }
0x85: {  	_ =	shalt  }
0x86: {  	_ =	shalt  }
0x87: {  	_ =	shalt  }
.Lfunc_end0:
.L_simem_size_0:
called_computation.1_lowered:
.L_overlay_start_0:
0x88: {  	s2 =	sld [smem:$0x3FD9]  }
0x89: {  	s3 =	sld [smem:$0x3FFE];
	_ =	sdelay $0x1  }
0x8a: {  	s1 =	srdreg.scid  }
0x8b: {  	s0 =	sand.u32 $0x1, s1  }
0x8c: {  	s17 =	sshll.u32 s0, $0xA;
	s2 =	sadd.s32 s3, s2  }
0x8d: {  	s2 =	sadd.s32 s2, s17  }
0x8e: {  	[smem:$0x3FC3] =	sst s2  }
0x8f: {  	_ = 	snop  }
0x90: {  	s2 =	sld [smem:$0x3FD0];
	(tm) =	ssettm $0x1  }
0x91: {  	s18 =	sld [smem:$0x3FFB];
	_ =	sdelay $0x3  }
0x92: {  	_ =	strace s18  }
0x93: {  	s3 =	sld [smem:$0x3FFC];
	_ =	sdelay $0x3  }
0x94: {  	_ =	strace s3  }
0x95: {  	s3 =	sld [smem:$0x3FFD];
	_ =	sdelay $0x3  }
0x96: {  	_ =	strace s3  }
0x97: {  	_ =	strace $0x8FFFFFFF  }
0x98: {  	s19 =	sld [smem:$0x3FDB];
	_ =	sdelay $0x1  }
0x99: {  	s4 =	simm.s32 $_scs_section_size  }
0x9a: {  	s5 =	simm.s32 $_size__tile_overlayer_lowered;
	s6 =	simm.s32 $_tile_overlayer_lowered  }
0x9b: {  	s22 =	simm.s32 $0x1BFF;
	s21 =	sshll.u32 s6, $0x1;
	s3 =	sadd.s32 s4, s19  }
0x9c: {  	s7 =	simm.s32 $0x0;
	s20 =	sshll.u32 s5, $0x1;
	s5 =	sadd.s32 s21, s3  }
0x9d: {  	[timem:s7], [sflag:s22] =	dma.local [hbm:s5], s20  }
0x9e: {  	_ =	swait.ge [sflag:s22], s20  }
0x9f: {  	s4 =	ssub.s32 $0x0, s20;
	[sflag:s22] =	ssyncset.done $0x0  }
0xa0: {  	[sflag:s22] =	ssyncadd.s32 s4;
	_ =	sdelay $0x1  }
0xa1: {  	s23 =	simm.s32 $0x1B8B  }
0xa2: {  	_ =	swait.ge [sflag:s23], $0x1  }
0xa3: {  	[sflag:s23] =	ssyncset.done $0x0  }
0xa4: {  	s25 =	simm.s32 $0x1B8E;
	s24 =	sld [smem:$0x3FFE];
	[sflag:s23] =	ssyncadd.s32 $0xFFFFFFFF  }
0xa5: {  	s26 =	simm.s32 $execute0_lowered;
	[smem:$0x3FD2] =	sst s25  }
0xa6: {  	s5 =	sshll.u32 s26, $0x1;
	_ =	strace $0x80000049;
	[dreg:$0x1] =	wrdreg $0xFFFFFFFF  }
0xa7: {  	s28 =	simm.s32 $_size_execute0_lowered;
	s3 =	sadd.s32 s3, s5;
	[dreg:$0x0] =	wrdreg $0x0  }
0xa8: {  	s5 =	sshll.u32 s28, $0x1;
	[dreg:$0x2] =	wrdreg s3  }
0xa9: {  	[dreg:$0x3] =	wrdreg s5  }
0xaa: {  	[dreg:$0x4] =	wrdreg $0xC0  }
0xab: {  	_ =	task [dreg:s7], $0x5FFFF  }
0xac: {  	[dreg:$0x1] =	wrdreg $0xFFFFFFFF  }
0xad: {  	[dreg:$0x0] =	wrdreg $0x60  }
0xae: {  	[dreg:$0x2] =	wrdreg s24  }
0xaf: {  	[dreg:$0x3] =	wrdreg s2  }
0xb0: {  	[dreg:$0x4] =	wrdreg $0x9  }
0xb1: {  	_ =	task.clear_ibuf [dreg:s7], $0x5FFFF;
	_ =	strace $0x90000049  }
0xb2: {  	s29 =	simm.s32 $0x9;
	_ =	strace $0x8000004B  }
0xb3: {  	_ =	swait.ge [sflag:s29], $0x1  }
0xb4: {  	[sflag:s29] =	ssyncadd.s32 $0xFFFFFFFF  }
0xb5: {  	_ =	strace $0x9000004B  }
0xb6: {  	_ =	sfence  }
0xb7: {  	s30 =	sld [smem:$0x0];
	_ =	sdelay $0x2  }
0xb8: {  	s31 =	sshll.u32 s1, $0xD;
	s1 =	sshrl.u32 s1, $0x2  }
0xb9: {  	s3 =	sand.u32 $0x4000, s31;
	s1 =	sadd.s32 s1, s30  }
0xba: {  	s0 =	sor.u32 s3, s0;
	s1 =	sshll.u32 s1, $0x11  }
0xbb: {  	s0 =	sor.u32 s1, s0  }
0xbc: {  	s0 =	sadd.s32 $0x8F2B, s0  }
0xbd: {  	[sflag:s0] =	ssyncadd.remote.s32 $0x1  }
0xbe: {  	_ =	sfence.sel $0xFFFF  }
0xbf: {  	[dreg:$0x0] =	wrdreg $0xFFFFFFFF;
	(pc) =	sbr.abs _section_cstart, $3  }
0xc0: {  	[dreg:$0x1] =	wrdreg $0xFFFFFFFF  }
0xc1: {  	_ =	task.clear_ibuf [dreg:s7], $0x2FFFF;
	_ =	strace $0x9FFFFFFF  }
0xc2: {  	(tm) =	ssettm $0x7FFFFFFF  }
0xc3: {  	_ =	shalt  }
tec
execute0_lowered:
.L_overlay_start_1:
0x0: {  	(tag) =	ssettag $0x1  }
0x1: {  	s0 =	rddreg [dreg:$0x0]  }
0x2: {  	s1 =	rddreg [dreg:$0x1];
	s3 =	srdreg.scid;
	s2 =	simm.s32 $0x0  }
0x3: {  	s5 =	stileid.u32;
	s12 =	simm.s32 $0x7;
	s28 =	simm.s32 $0x6900  }
0x4: {  	s29 =	simm.s32 $0x7100;
	s30 =	simm.s32 $0x7900;
	s31 =	simm.s32 $0x1  }
0x5: {  	s13 =	simm.s32 $0x2;
	s14 =	simm.s32 $0xC100;
	s15 =	simm.s32 $0x5  }
0x6: {  	s16 =	simm.s32 $0x0;
	s4 =	sand.u32 $0x1, s3;
	[smem:$0x7FF] =	sst s2  }
0x7: {  	s19 =	sshll.u32 s5, $0x7;
	s20 =	sshll.u32 s4, $0x6;
	s4 =	ssub.s32 $0x2, s4  }
0x8: {  	s3 =	sadd.s32 $0x1AA00, s0;
	s5 =	sor.u32 s20, s19;
	s7 =	sshrl.u32 s4, $0x1  }
0x9: {  	_ =	strace $0x8000004A;
	s6 =	sshrl.u32 s5, $0x3;
	s4 =	ssub.s32 s4, s7  }
0xa: {  	s5 =	sshll.u32 s5, $0x7;
	s6 =	sadd.s32 s6, s0;
	s26 =	smax.u32 s4, $0x1  }
0xb: {  	s7 =	sadd.s32 $0x1AB00, s0;
	s21 =	sadd.s32 $0x2800, s6;
	[dreg:$0x8] =	wrdreg s26  }
0xc: {  	s5 =	sadd.s32 s1, s5;
	s22 =	sadd.s32 $0x2900, s6;
	[dreg:$0x3] =	wrdreg s21  }
0xd: {  	s0 =	simm.s32 $0x3;
	s23 =	sadd.s32 $0x800, s5;
	[dreg:$0x4] =	wrdreg s22  }
0xe: {  	v2 =	vlaneseq.u32;
	s1 =	simm.s32 $0x8100;
	s24 =	sadd.s32 $0x1000, s5;
	[dreg:$0x5] =	wrdreg s23  }
0xf: {  	vm0 =	vmmov $0xffff;
	v1 =	vshrl.u32 v2, $0x3;
	s4 =	simm.s32 $0x4;
	s25 =	sadd.s32 $0x1800, s5;
	[dreg:$0x6] =	wrdreg s24  }
0x10: {  	v0 =	vand.u32 $0x7, v2;
	v2 =	vor.u32 $0x8, v2;
	v1 =	vmul.u32 $0x8, v1;
	s26 =	simm.s32 $0x6100;
	s6 =	simm.s32 $0x6;
	[dreg:$0x7] =	wrdreg s25  }
.LBB2_1:
0x11: {  	s8 =	rddreg [dreg:$0x3]  }
0x12: {  	[tilespmem:s2], [sflag:$0x7] =	stream.linear.gather [hbm4b:s8+s2], $0x40, $0x38;
	[tilespmem:$0x10100] =	vst v63  }
0x13: {  	_ =	swait.ge [sflag:s12], $0x40  }
0x14: {  	[sflag:s12] =	ssyncset.done $0x0  }
0x15: {  	s9 =	simm.s32 $0x80;
	s24 =	rddreg [dreg:$0x4];
	[sflag:s12] =	ssyncadd.s32 $0xFFFFFFC0  }
0x16: {  	[tilespmem:s9], [sflag:$0x7] =	stream.linear.gather [hbm4b:s24+s2], $0x40, $0x38;
	[tilespmem:$0x10100] =	vst v63  }
0x17: {  	_ =	swait.ge [sflag:s12], $0x40  }
0x18: {  	[sflag:s12] =	ssyncset.done $0x0  }
0x19: {  	[sflag:s12] =	ssyncadd.s32 $0xFFFFFFC0  }
0x1a: {  	v3 =	vld [tilespmem:$0x0];
	_ =	sdelay $0x4  }
0x1b: {  	v4 =	vshll.u32 v3, $0x2  }
0x1c: {  	v3 =	vand.u32 $0x7, v3;
	v4 =	vand.u32 $0xFFFFFFE0, v4  }
0x1d: {  	v3 =	vor.u32 v3, v4  }
0x1e: {  	v4 =	vperm.xlane v3, v0;
	_ =	sdelay $0x1  }
0x1f: {  	v4 =	vadd.s32 v1, v4;
	_ =	sdelay $0x1  }
0x20: {  	v3 =	vperm.xlane v3, v2;
	_ =	sdelay $0x1  }
0x21: {  	s25 =	simm.s32 $0x100;
	v3 =	vadd.s32 v1, v3  }
0x22: {  	[tilespmem:s25], [sflag:$0x1] =	stream.indirect_vreg.gather [hbm4b:s3+s2], $0x80, v4, vm0, $0xb8;
	[tilespmem:$0x10100] =	vst v63  }
0x23: {  	s9 =	simm.s32 $0x900  }
0x24: {  	[tilespmem:s9], [sflag:$0x1] =	stream.indirect_vreg.gather [hbm4b:s7+s2], $0x80, v4, vm0, $0xb8;
	[tilespmem:$0x10100] =	vst v63  }
0x25: {  	s10 =	simm.s32 $0x1100  }
0x26: {  	[tilespmem:s10], [sflag:$0x1] =	stream.indirect_vreg.gather [hbm4b:s3+s2], $0x80, v3, vm0, $0xb8;
	[tilespmem:$0x10100] =	vst v63  }
0x27: {  	s11 =	simm.s32 $0x1900  }
0x28: {  	[tilespmem:s11], [sflag:$0x1] =	stream.indirect_vreg.gather [hbm4b:s7+s2], $0x80, v3, vm0, $0xb8;
	[tilespmem:$0x10100] =	vst v63  }
0x29: {  	v3 =	vld [tilespmem:$0x80];
	_ =	sdelay $0x4  }
0x2a: {  	v4 =	vshll.u32 v3, $0x2  }
0x2b: {  	v3 =	vand.u32 $0x7, v3;
	v4 =	vand.u32 $0xFFFFFFE0, v4  }
0x2c: {  	v3 =	vor.u32 v3, v4  }
0x2d: {  	v4 =	vperm.xlane v3, v0;
	_ =	sdelay $0x1  }
0x2e: {  	v4 =	vadd.s32 v1, v4;
	_ =	sdelay $0x1  }
0x2f: {  	v3 =	vperm.xlane v3, v2;
	_ =	sdelay $0x1  }
0x30: {  	s17 =	simm.s32 $0x4100;
	v3 =	vadd.s32 v1, v3  }
0x31: {  	[tilespmem:s17], [sflag:$0x3] =	stream.indirect_vreg.gather [hbm4b:s3+s2], $0x80, v4, vm0, $0xb8;
	[tilespmem:$0x10100] =	vst v63  }
0x32: {  	s18 =	simm.s32 $0x4900  }
0x33: {  	[tilespmem:s18], [sflag:$0x3] =	stream.indirect_vreg.gather [hbm4b:s7+s2], $0x80, v4, vm0, $0xb8;
	[tilespmem:$0x10100] =	vst v63  }
0x34: {  	s19 =	simm.s32 $0x5100  }
0x35: {  	[tilespmem:s19], [sflag:$0x3] =	stream.indirect_vreg.gather [hbm4b:s3+s2], $0x80, v3, vm0, $0xb8;
	[tilespmem:$0x10100] =	vst v63  }
0x36: {  	s20 =	simm.s32 $0x5900  }
0x37: {  	[tilespmem:s20], [sflag:$0x3] =	stream.indirect_vreg.gather [hbm4b:s7+s2], $0x80, v3, vm0, $0xb8;
	[tilespmem:$0x10100] =	vst v63  }
0x38: {  	v3 =	vld [tilespmem:$0x10];
	_ =	sdelay $0x4  }
0x39: {  	v4 =	vshll.u32 v3, $0x2  }
0x3a: {  	v3 =	vand.u32 $0x7, v3;
	v4 =	vand.u32 $0xFFFFFFE0, v4  }
0x3b: {  	v3 =	vor.u32 v3, v4  }
0x3c: {  	v4 =	vperm.xlane v3, v0;
	_ =	sdelay $0x1  }
0x3d: {  	v4 =	vadd.s32 v1, v4;
	_ =	sdelay $0x1  }
0x3e: {  	v3 =	vperm.xlane v3, v2;
	_ =	sdelay $0x1  }
0x3f: {  	s21 =	simm.s32 $0x2100;
	v3 =	vadd.s32 v1, v3  }
0x40: {  	[tilespmem:s21], [sflag:$0x2] =	stream.indirect_vreg.gather [hbm4b:s3+s2], $0x80, v4, vm0, $0xb8;
	[tilespmem:$0x10100] =	vst v63  }
0x41: {  	s22 =	simm.s32 $0x2900  }
0x42: {  	[tilespmem:s22], [sflag:$0x2] =	stream.indirect_vreg.gather [hbm4b:s7+s2], $0x80, v4, vm0, $0xb8;
	[tilespmem:$0x10100] =	vst v63  }
0x43: {  	s23 =	simm.s32 $0x3100  }
0x44: {  	[tilespmem:s23], [sflag:$0x2] =	stream.indirect_vreg.gather [hbm4b:s3+s2], $0x80, v3, vm0, $0xb8;
	[tilespmem:$0x10100] =	vst v63  }
0x45: {  	s24 =	simm.s32 $0x3900  }
0x46: {  	[tilespmem:s24], [sflag:$0x2] =	stream.indirect_vreg.gather [hbm4b:s7+s2], $0x80, v3, vm0, $0xb8;
	[tilespmem:$0x10100] =	vst v63  }
0x47: {  	v3 =	vld [tilespmem:$0x90];
	_ =	sdelay $0x4  }
0x48: {  	v4 =	vshll.u32 v3, $0x2  }
0x49: {  	v3 =	vand.u32 $0x7, v3;
	v4 =	vand.u32 $0xFFFFFFE0, v4  }
0x4a: {  	v3 =	vor.u32 v3, v4  }
0x4b: {  	v4 =	vperm.xlane v3, v0;
	_ =	sdelay $0x1  }
0x4c: {  	v4 =	vadd.s32 v1, v4;
	_ =	sdelay $0x1  }
0x4d: {  	v3 =	vperm.xlane v3, v2;
	_ =	sdelay $0x1  }
0x4e: {  	v3 =	vadd.s32 v1, v3  }
0x4f: {  	[tilespmem:s26], [sflag:$0x4] =	stream.indirect_vreg.gather [hbm4b:s3+s2], $0x80, v4, vm0, $0xb8;
	[tilespmem:$0x10100] =	vst v63  }
0x50: {  	_ = 	snop  }
0x51: {  	[tilespmem:s28], [sflag:$0x4] =	stream.indirect_vreg.gather [hbm4b:s7+s2], $0x80, v4, vm0, $0xb8;
	[tilespmem:$0x10100] =	vst v63  }
0x52: {  	_ = 	snop  }
0x53: {  	[tilespmem:s29], [sflag:$0x4] =	stream.indirect_vreg.gather [hbm4b:s3+s2], $0x80, v3, vm0, $0xb8;
	[tilespmem:$0x10100] =	vst v63  }
0x54: {  	_ = 	snop  }
0x55: {  	[tilespmem:s30], [sflag:$0x4] =	stream.indirect_vreg.gather [hbm4b:s7+s2], $0x80, v3, vm0, $0xb8;
	[tilespmem:$0x10100] =	vst v63  }
0x56: {  	_ =	swait.ge [sflag:s31], $0x2000  }
0x57: {  	[sflag:s31] =	ssyncset.done $0x0  }
0x58: {  	s25 =	simm.s32 $0x0;
	s21 =	sand.u32 $0xC00, s2;
	[sflag:s31] =	ssyncadd.s32 $0xFFFFE000  }
0x59: {  	s9 =	sand.u32 $0x380, s2;
	s8 =	sor.u32 s21, s25;
	_ =	swait.ge [sflag:s0], $0x2000  }
0x5a: {  	s17 =	sand.u32 $0x70, s2;
	s8 =	sor.u32 s9, s8;
	[sflag:s0] =	ssyncset.done $0x0  }
0x5b: {  	s8 =	sor.u32 s17, s8;
	[sflag:s0] =	ssyncadd.s32 $0xFFFFE000  }
0x5c: {  	v3 =	vld [tilespmem:s8+$0x100]  }
0x5d: {  	v4 =	vld [tilespmem:s8+$0x4100];
	_ =	sdelay $0x1  }
0x5e: {  	s11 =	simm.s32 $0x4  }
0x5f: {  	s10 =	simm.s32 $0x80;
	s18 =	simm.s32 $0x10;
	s19 =	sand.u32 $0x380, s11  }
0x60: {  	s20 =	sand.u32 $0xC00, s10;
	s22 =	simm.s32 $0x0;
	s24 =	simm.s32 $0x8100;
	v5 =	vshll.u32 v3, $0x10  }
0x61: {  	s25 =	sor.u32 s17, s21;
	s22 =	sor.u32 s20, s22;
	s23 =	sor.u32 s21, s24;
	v6 =	vshll.u32 v4, $0x10;
	v7 =	vand.u32 $0xFFFF0000, v3;
	v4 =	vand.u32 $0xFFFF0000, v4  }
0x62: {  	s24 =	sor.u32 s25, s24;
	s21 =	simm.s32 $0x2;
	s8 =	simm.s32 $0x0;
	v3 =	vadd.f32 v6, v5;
	v4 =	vadd.f32 v4, v7  }
.LBB2_2:
0x63: {  	p0 =	sne.s32 s21, $0x1FF;
	s23 =	sadd.s32 s9, s23;
	s9 =	sadd.s32 s9, s24  }
0x64: {  	s22 =	sor.u32 s19, s22;
	s23 =	sor.u32 s17, s23;
	s17 =	sand.u32 $0x70, s18;
	[tilespmem:s9+$0x1000] =	vst v4  }
0x65: {  	s9 =	smov.u32 s19;
	s22 =	sor.u32 s17, s22;
	[tilespmem:s23+$0x0] =	vst v3;
	s23 =	smov.u32 s20  }
0x66: {  	v3 =	vld [tilespmem:s22+$0x100]  }
0x67: {  	v4 =	vld [tilespmem:s22+$0x4100];
	_ =	sdelay $0x1  }
.Ltmp0:
0x68: {  	s10 =	sadd.s32 $0x80, s10;
	s18 =	sadd.s32 $0x10, s18;
	(pc) =	sbr.rel @p0 .LBB2_2-.Ltmp0, $4  }
0x69: {  	s24 =	sshll.u32 s8, $0xD;
	s8 =	sshrl.u32 s21, $0x8;
	s11 =	sadd.s32 $0x4, s11  }
0x6a: {  	s19 =	sand.u32 $0x380, s11;
	s20 =	sand.u32 $0xC00, s10;
	s22 =	sshll.u32 s8, $0xC;
	v5 =	vshll.u32 v3, $0x10  }
0x6b: {  	s24 =	sadd.s32 $0x8100, s24;
	s25 =	sor.u32 s17, s23;
	s22 =	sor.u32 s20, s22;
	v7 =	vand.u32 $0xFFFF0000, v3;
	v6 =	vshll.u32 v4, $0x10;
	v4 =	vand.u32 $0xFFFF0000, v4  }
0x6c: {  	s21 =	sadd.s32 $0x1, s21;
	s23 =	sor.u32 s23, s24;
	s24 =	sor.u32 s25, s24;
	v3 =	vadd.f32 v6, v5;
	v4 =	vadd.f32 v4, v7  }
0x6d: {  	s10 =	sadd.s32 s9, s23;
	s24 =	sadd.s32 s9, s24  }
0x6e: {  	s11 =	sand.u32 $0x70, s18;
	s25 =	sor.u32 s19, s22;
	s10 =	sor.u32 s17, s10;
	[tilespmem:s24+$0x1000] =	vst v4  }
0x6f: {  	s21 =	sor.u32 s11, s25;
	[tilespmem:s10+$0x0] =	vst v3  }
0x70: {  	v3 =	vld [tilespmem:s21+$0x100]  }
0x71: {  	v4 =	vld [tilespmem:s21+$0x4100];
	_ =	sdelay $0x3  }
0x72: {  	s8 =	sshll.u32 s8, $0xD  }
0x73: {  	s8 =	sadd.s32 $0x8100, s8;
	s22 =	sor.u32 s11, s20;
	v5 =	vand.u32 $0xFFFF0000, v3;
	v6 =	vand.u32 $0xFFFF0000, v4  }
0x74: {  	s23 =	sor.u32 s20, s8;
	s8 =	sor.u32 s22, s8;
	v3 =	vshll.u32 v3, $0x10;
	v4 =	vshll.u32 v4, $0x10;
	v5 =	vadd.f32 v6, v5  }
0x75: {  	s24 =	sadd.s32 s19, s23;
	s8 =	sadd.s32 s19, s8;
	v3 =	vadd.f32 v4, v3  }
0x76: {  	s9 =	sor.u32 s11, s24;
	[tilespmem:s8+$0x1000] =	vst v5  }
0x77: {  	s25 =	simm.s32 $0x0;
	[tilespmem:s9+$0x0] =	vst v3  }
0x78: {  	[hbm4b:s5+s25] =	stream.linear.scatter [tilespmem:s1], [sflag:$0x5], $0x4000, $0x38;
	[tilespmem:$0x10100] =	vst v63  }
0x79: {  	v3 =	vld [tilespmem:$0x20];
	_ =	sdelay $0x4  }
0x7a: {  	v4 =	vshll.u32 v3, $0x2  }
0x7b: {  	v3 =	vand.u32 $0x7, v3;
	v4 =	vand.u32 $0xFFFFFFE0, v4  }
0x7c: {  	v3 =	vor.u32 v3, v4  }
0x7d: {  	v4 =	vperm.xlane v3, v0;
	_ =	sdelay $0x1  }
0x7e: {  	v4 =	vadd.s32 v1, v4;
	_ =	sdelay $0x1  }
0x7f: {  	v3 =	vperm.xlane v3, v2;
	_ =	sdelay $0x1  }
0x80: {  	s10 =	simm.s32 $0x100;
	v3 =	vadd.s32 v1, v3  }
0x81: {  	[tilespmem:s10], [sflag:$0x1] =	stream.indirect_vreg.gather [hbm4b:s3+s25], $0x80, v4, vm0, $0xb8;
	[tilespmem:$0x10100] =	vst v63  }
0x82: {  	s11 =	simm.s32 $0x900  }
0x83: {  	[tilespmem:s11], [sflag:$0x1] =	stream.indirect_vreg.gather [hbm4b:s7+s25], $0x80, v4, vm0, $0xb8;
	[tilespmem:$0x10100] =	vst v63  }
0x84: {  	s17 =	simm.s32 $0x1100  }
0x85: {  	[tilespmem:s17], [sflag:$0x1] =	stream.indirect_vreg.gather [hbm4b:s3+s25], $0x80, v3, vm0, $0xb8;
	[tilespmem:$0x10100] =	vst v63  }
0x86: {  	s18 =	simm.s32 $0x1900  }
0x87: {  	[tilespmem:s18], [sflag:$0x1] =	stream.indirect_vreg.gather [hbm4b:s7+s25], $0x80, v3, vm0, $0xb8;
	[tilespmem:$0x10100] =	vst v63  }
0x88: {  	v3 =	vld [tilespmem:$0xA0];
	_ =	sdelay $0x4  }
0x89: {  	v4 =	vshll.u32 v3, $0x2  }
0x8a: {  	v3 =	vand.u32 $0x7, v3;
	v4 =	vand.u32 $0xFFFFFFE0, v4  }
0x8b: {  	v3 =	vor.u32 v3, v4  }
0x8c: {  	v4 =	vperm.xlane v3, v0;
	_ =	sdelay $0x1  }
0x8d: {  	v4 =	vadd.s32 v1, v4;
	_ =	sdelay $0x1  }
0x8e: {  	v3 =	vperm.xlane v3, v2;
	_ =	sdelay $0x1  }
0x8f: {  	s19 =	simm.s32 $0x4100;
	v3 =	vadd.s32 v1, v3  }
0x90: {  	[tilespmem:s19], [sflag:$0x3] =	stream.indirect_vreg.gather [hbm4b:s3+s25], $0x80, v4, vm0, $0xb8;
	[tilespmem:$0x10100] =	vst v63  }
0x91: {  	s20 =	simm.s32 $0x4900  }
0x92: {  	[tilespmem:s20], [sflag:$0x3] =	stream.indirect_vreg.gather [hbm4b:s7+s25], $0x80, v4, vm0, $0xb8;
	[tilespmem:$0x10100] =	vst v63  }
0x93: {  	s21 =	simm.s32 $0x5100  }
0x94: {  	[tilespmem:s21], [sflag:$0x3] =	stream.indirect_vreg.gather [hbm4b:s3+s25], $0x80, v3, vm0, $0xb8;
	[tilespmem:$0x10100] =	vst v63  }
0x95: {  	s22 =	simm.s32 $0x5900  }
0x96: {  	[tilespmem:s22], [sflag:$0x3] =	stream.indirect_vreg.gather [hbm4b:s7+s25], $0x80, v3, vm0, $0xb8;
	[tilespmem:$0x10100] =	vst v63  }
0x97: {  	_ =	swait.ge [sflag:s13], $0x2000  }
0x98: {  	[sflag:s13] =	ssyncset.done $0x0  }
0x99: {  	s23 =	simm.s32 $0x0;
	s21 =	sand.u32 $0xC00, s25;
	[sflag:s13] =	ssyncadd.s32 $0xFFFFE000  }
0x9a: {  	s9 =	sand.u32 $0x380, s25;
	s10 =	sor.u32 s21, s23;
	_ =	swait.ge [sflag:s4], $0x2000  }
0x9b: {  	s17 =	sand.u32 $0x70, s25;
	s24 =	sor.u32 s9, s10;
	[sflag:s4] =	ssyncset.done $0x0  }
0x9c: {  	s8 =	sor.u32 s17, s24;
	[sflag:s4] =	ssyncadd.s32 $0xFFFFE000  }
0x9d: {  	v3 =	vld [tilespmem:s8+$0x2100]  }
0x9e: {  	v4 =	vld [tilespmem:s8+$0x6100];
	_ =	sdelay $0x1  }
0x9f: {  	s11 =	simm.s32 $0x4  }
0xa0: {  	s18 =	simm.s32 $0x10;
	s19 =	sand.u32 $0x380, s11;
	s10 =	simm.s32 $0x80  }
0xa1: {  	s25 =	simm.s32 $0x0;
	s20 =	sand.u32 $0xC00, s10;
	s24 =	simm.s32 $0xC100;
	v5 =	vshll.u32 v3, $0x10  }
0xa2: {  	s22 =	sor.u32 s20, s25;
	s25 =	sor.u32 s17, s21;
	s23 =	sor.u32 s21, s24;
	v6 =	vshll.u32 v4, $0x10;
	v7 =	vand.u32 $0xFFFF0000, v3;
	v4 =	vand.u32 $0xFFFF0000, v4  }
0xa3: {  	s21 =	simm.s32 $0x2;
	s24 =	sor.u32 s25, s24;
	s8 =	simm.s32 $0x0;
	v3 =	vadd.f32 v6, v5;
	v4 =	vadd.f32 v4, v7  }
.LBB2_4:
0xa4: {  	p0 =	sne.s32 s21, $0x1FF;
	s23 =	sadd.s32 s9, s23;
	s9 =	sadd.s32 s9, s24  }
0xa5: {  	s22 =	sor.u32 s19, s22;
	s23 =	sor.u32 s17, s23;
	s17 =	sand.u32 $0x70, s18;
	[tilespmem:s9+$0x1000] =	vst v4  }
0xa6: {  	s9 =	smov.u32 s19;
	s22 =	sor.u32 s17, s22;
	[tilespmem:s23+$0x0] =	vst v3;
	s23 =	smov.u32 s20  }
0xa7: {  	v3 =	vld [tilespmem:s22+$0x2100]  }
0xa8: {  	v4 =	vld [tilespmem:s22+$0x6100];
	_ =	sdelay $0x1  }
.Ltmp1:
0xa9: {  	s10 =	sadd.s32 $0x80, s10;
	s18 =	sadd.s32 $0x10, s18;
	(pc) =	sbr.rel @p0 .LBB2_4-.Ltmp1, $4  }
0xaa: {  	s24 =	sshll.u32 s8, $0xD;
	s8 =	sshrl.u32 s21, $0x8;
	s11 =	sadd.s32 $0x4, s11  }
0xab: {  	s19 =	sand.u32 $0x380, s11;
	s20 =	sand.u32 $0xC00, s10;
	s22 =	sshll.u32 s8, $0xC;
	v5 =	vshll.u32 v3, $0x10  }
0xac: {  	s24 =	sadd.s32 $0xC100, s24;
	s25 =	sor.u32 s17, s23;
	s22 =	sor.u32 s20, s22;
	v7 =	vand.u32 $0xFFFF0000, v3;
	v6 =	vshll.u32 v4, $0x10;
	v4 =	vand.u32 $0xFFFF0000, v4  }
0xad: {  	s21 =	sadd.s32 $0x1, s21;
	s23 =	sor.u32 s23, s24;
	s24 =	sor.u32 s25, s24;
	v3 =	vadd.f32 v6, v5;
	v4 =	vadd.f32 v4, v7  }
0xae: {  	s10 =	sadd.s32 s9, s23;
	s21 =	sadd.s32 s9, s24  }
0xaf: {  	s11 =	sand.u32 $0x70, s18;
	s22 =	sor.u32 s19, s22;
	s10 =	sor.u32 s17, s10;
	[tilespmem:s21+$0x1000] =	vst v4  }
0xb0: {  	s23 =	sor.u32 s11, s22;
	[tilespmem:s10+$0x0] =	vst v3  }
0xb1: {  	v3 =	vld [tilespmem:s23+$0x2100]  }
0xb2: {  	v4 =	vld [tilespmem:s23+$0x6100];
	_ =	sdelay $0x3  }
0xb3: {  	s8 =	sshll.u32 s8, $0xD  }
0xb4: {  	s8 =	sadd.s32 $0xC100, s8;
	s24 =	sor.u32 s11, s20;
	v5 =	vand.u32 $0xFFFF0000, v3;
	v6 =	vand.u32 $0xFFFF0000, v4  }
0xb5: {  	s25 =	sor.u32 s20, s8;
	s8 =	sor.u32 s24, s8;
	v3 =	vshll.u32 v3, $0x10;
	v4 =	vshll.u32 v4, $0x10;
	v5 =	vadd.f32 v6, v5  }
0xb6: {  	s10 =	sadd.s32 s19, s25;
	s8 =	sadd.s32 s19, s8;
	v3 =	vadd.f32 v4, v3  }
0xb7: {  	s9 =	sor.u32 s11, s10;
	[tilespmem:s8+$0x1000] =	vst v5  }
0xb8: {  	s18 =	rddreg [dreg:$0x5];
	s17 =	simm.s32 $0x0;
	[tilespmem:s9+$0x0] =	vst v3  }
0xb9: {  	[hbm4b:s18+s17] =	stream.linear.scatter [tilespmem:s14], [sflag:$0x6], $0x4000, $0x38;
	[tilespmem:$0x10100] =	vst v63  }
0xba: {  	v3 =	vld [tilespmem:$0x30];
	_ =	sdelay $0x4  }
0xbb: {  	v4 =	vshll.u32 v3, $0x2  }
0xbc: {  	v3 =	vand.u32 $0x7, v3;
	v4 =	vand.u32 $0xFFFFFFE0, v4  }
0xbd: {  	v3 =	vor.u32 v3, v4  }
0xbe: {  	v4 =	vperm.xlane v3, v0;
	_ =	sdelay $0x1  }
0xbf: {  	v4 =	vadd.s32 v1, v4;
	_ =	sdelay $0x1  }
0xc0: {  	v3 =	vperm.xlane v3, v2;
	_ =	sdelay $0x1  }
0xc1: {  	s19 =	simm.s32 $0x2100;
	v3 =	vadd.s32 v1, v3  }
0xc2: {  	[tilespmem:s19], [sflag:$0x2] =	stream.indirect_vreg.gather [hbm4b:s3+s17], $0x80, v4, vm0, $0xb8;
	[tilespmem:$0x10100] =	vst v63  }
0xc3: {  	s20 =	simm.s32 $0x2900  }
0xc4: {  	[tilespmem:s20], [sflag:$0x2] =	stream.indirect_vreg.gather [hbm4b:s7+s17], $0x80, v4, vm0, $0xb8;
	[tilespmem:$0x10100] =	vst v63  }
0xc5: {  	s21 =	simm.s32 $0x3100  }
0xc6: {  	[tilespmem:s21], [sflag:$0x2] =	stream.indirect_vreg.gather [hbm4b:s3+s17], $0x80, v3, vm0, $0xb8;
	[tilespmem:$0x10100] =	vst v63  }
0xc7: {  	s22 =	simm.s32 $0x3900  }
0xc8: {  	[tilespmem:s22], [sflag:$0x2] =	stream.indirect_vreg.gather [hbm4b:s7+s17], $0x80, v3, vm0, $0xb8;
	[tilespmem:$0x10100] =	vst v63  }
0xc9: {  	v3 =	vld [tilespmem:$0xB0];
	_ =	sdelay $0x4  }
0xca: {  	v4 =	vshll.u32 v3, $0x2  }
0xcb: {  	v3 =	vand.u32 $0x7, v3;
	v4 =	vand.u32 $0xFFFFFFE0, v4  }
0xcc: {  	v3 =	vor.u32 v3, v4  }
0xcd: {  	v4 =	vperm.xlane v3, v0;
	_ =	sdelay $0x1  }
0xce: {  	v4 =	vadd.s32 v1, v4;
	_ =	sdelay $0x1  }
0xcf: {  	v3 =	vperm.xlane v3, v2;
	_ =	sdelay $0x1  }
0xd0: {  	v3 =	vadd.s32 v1, v3  }
0xd1: {  	[tilespmem:s26], [sflag:$0x4] =	stream.indirect_vreg.gather [hbm4b:s3+s17], $0x80, v4, vm0, $0xb8;
	[tilespmem:$0x10100] =	vst v63  }
0xd2: {  	_ = 	snop  }
0xd3: {  	[tilespmem:s28], [sflag:$0x4] =	stream.indirect_vreg.gather [hbm4b:s7+s17], $0x80, v4, vm0, $0xb8;
	[tilespmem:$0x10100] =	vst v63  }
0xd4: {  	_ = 	snop  }
0xd5: {  	[tilespmem:s29], [sflag:$0x4] =	stream.indirect_vreg.gather [hbm4b:s3+s17], $0x80, v3, vm0, $0xb8;
	[tilespmem:$0x10100] =	vst v63  }
0xd6: {  	_ = 	snop  }
0xd7: {  	[tilespmem:s30], [sflag:$0x4] =	stream.indirect_vreg.gather [hbm4b:s7+s17], $0x80, v3, vm0, $0xb8;
	[tilespmem:$0x10100] =	vst v63  }
0xd8: {  	_ =	swait.ge [sflag:s31], $0x2000  }
0xd9: {  	[sflag:s31] =	ssyncset.done $0x0  }
0xda: {  	[sflag:s31] =	ssyncadd.s32 $0xFFFFE000  }
0xdb: {  	_ =	swait.ge [sflag:s0], $0x2000  }
0xdc: {  	[sflag:s0] =	ssyncset.done $0x0  }
0xdd: {  	s23 =	simm.s32 $0x0;
	s21 =	sand.u32 $0xC00, s17;
	[sflag:s0] =	ssyncadd.s32 $0xFFFFE000  }
0xde: {  	s9 =	sand.u32 $0x380, s17;
	s10 =	sor.u32 s21, s23;
	_ =	swait.ge [sflag:s15], $0x4000  }
0xdf: {  	s24 =	sor.u32 s9, s10;
	s17 =	sand.u32 $0x70, s17;
	[sflag:s15] =	ssyncset.done $0x0  }
0xe0: {  	s8 =	sor.u32 s17, s24;
	[sflag:s15] =	ssyncadd.s32 $0xFFFFC000  }
0xe1: {  	v3 =	vld [tilespmem:s8+$0x100]  }
0xe2: {  	v4 =	vld [tilespmem:s8+$0x4100];
	_ =	sdelay $0x1  }
0xe3: {  	s25 =	simm.s32 $0x0  }
0xe4: {  	s11 =	simm.s32 $0x4;
	s18 =	simm.s32 $0x10;
	s10 =	simm.s32 $0x80  }
0xe5: {  	s19 =	sand.u32 $0x380, s11;
	s20 =	sand.u32 $0xC00, s10;
	s24 =	simm.s32 $0x8100;
	v5 =	vshll.u32 v3, $0x10  }
0xe6: {  	s22 =	sor.u32 s20, s25;
	s25 =	sor.u32 s17, s21;
	s23 =	sor.u32 s21, s24;
	v6 =	vshll.u32 v4, $0x10;
	v7 =	vand.u32 $0xFFFF0000, v3;
	v4 =	vand.u32 $0xFFFF0000, v4  }
0xe7: {  	s24 =	sor.u32 s25, s24;
	s21 =	simm.s32 $0x2;
	s8 =	simm.s32 $0x0;
	v3 =	vadd.f32 v6, v5;
	v4 =	vadd.f32 v4, v7  }
.LBB2_6:
0xe8: {  	p0 =	sne.s32 s21, $0x1FF;
	s23 =	sadd.s32 s9, s23;
	s9 =	sadd.s32 s9, s24  }
0xe9: {  	s22 =	sor.u32 s19, s22;
	s23 =	sor.u32 s17, s23;
	s17 =	sand.u32 $0x70, s18;
	[tilespmem:s9+$0x1000] =	vst v4  }
0xea: {  	s9 =	smov.u32 s19;
	s22 =	sor.u32 s17, s22;
	[tilespmem:s23+$0x0] =	vst v3;
	s23 =	smov.u32 s20  }
0xeb: {  	v3 =	vld [tilespmem:s22+$0x100]  }
0xec: {  	v4 =	vld [tilespmem:s22+$0x4100];
	_ =	sdelay $0x1  }
.Ltmp2:
0xed: {  	s10 =	sadd.s32 $0x80, s10;
	s18 =	sadd.s32 $0x10, s18;
	(pc) =	sbr.rel @p0 .LBB2_6-.Ltmp2, $4  }
0xee: {  	s24 =	sshll.u32 s8, $0xD;
	s8 =	sshrl.u32 s21, $0x8;
	s11 =	sadd.s32 $0x4, s11  }
0xef: {  	s19 =	sand.u32 $0x380, s11;
	s20 =	sand.u32 $0xC00, s10;
	s22 =	sshll.u32 s8, $0xC;
	v5 =	vshll.u32 v3, $0x10  }
0xf0: {  	s24 =	sadd.s32 $0x8100, s24;
	s25 =	sor.u32 s17, s23;
	s22 =	sor.u32 s20, s22;
	v7 =	vand.u32 $0xFFFF0000, v3;
	v6 =	vshll.u32 v4, $0x10;
	v4 =	vand.u32 $0xFFFF0000, v4  }
0xf1: {  	s21 =	sadd.s32 $0x1, s21;
	s23 =	sor.u32 s23, s24;
	s24 =	sor.u32 s25, s24;
	v3 =	vadd.f32 v6, v5;
	v4 =	vadd.f32 v4, v7  }
0xf2: {  	s10 =	sadd.s32 s9, s23;
	s24 =	sadd.s32 s9, s24  }
0xf3: {  	s11 =	sand.u32 $0x70, s18;
	s25 =	sor.u32 s19, s22;
	s10 =	sor.u32 s17, s10;
	[tilespmem:s24+$0x1000] =	vst v4  }
0xf4: {  	s17 =	sor.u32 s11, s25;
	[tilespmem:s10+$0x0] =	vst v3  }
0xf5: {  	v3 =	vld [tilespmem:s17+$0x100]  }
0xf6: {  	v4 =	vld [tilespmem:s17+$0x4100];
	_ =	sdelay $0x3  }
0xf7: {  	s8 =	sshll.u32 s8, $0xD  }
0xf8: {  	s8 =	sadd.s32 $0x8100, s8;
	s18 =	sor.u32 s11, s20;
	v5 =	vand.u32 $0xFFFF0000, v3;
	v6 =	vand.u32 $0xFFFF0000, v4  }
0xf9: {  	s20 =	sor.u32 s20, s8;
	s8 =	sor.u32 s18, s8;
	v3 =	vshll.u32 v3, $0x10;
	v4 =	vshll.u32 v4, $0x10;
	v5 =	vadd.f32 v6, v5  }
0xfa: {  	s21 =	sadd.s32 s19, s20;
	s8 =	sadd.s32 s19, s8;
	v3 =	vadd.f32 v4, v3  }
0xfb: {  	s9 =	sor.u32 s11, s21;
	[tilespmem:s8+$0x1000] =	vst v5  }
0xfc: {  	s22 =	simm.s32 $0x0;
	s23 =	rddreg [dreg:$0x6];
	[tilespmem:s9+$0x0] =	vst v3  }
0xfd: {  	[hbm4b:s23+s22] =	stream.linear.scatter [tilespmem:s1], [sflag:$0x5], $0x4000, $0x38;
	[tilespmem:$0x10100] =	vst v63  }
0xfe: {  	_ =	swait.ge [sflag:s13], $0x2000  }
0xff: {  	[sflag:s13] =	ssyncset.done $0x0  }
0x100: {  	[sflag:s13] =	ssyncadd.s32 $0xFFFFE000  }
0x101: {  	_ =	swait.ge [sflag:s4], $0x2000  }
0x102: {  	[sflag:s4] =	ssyncset.done $0x0  }
0x103: {  	s24 =	simm.s32 $0x0;
	s23 =	sand.u32 $0xC00, s22;
	[sflag:s4] =	ssyncadd.s32 $0xFFFFE000  }
0x104: {  	s9 =	sand.u32 $0x380, s22;
	s10 =	sor.u32 s23, s24;
	_ =	swait.ge [sflag:s6], $0x4000  }
0x105: {  	s17 =	sand.u32 $0x70, s22;
	s25 =	sor.u32 s9, s10;
	[sflag:s6] =	ssyncset.done $0x0  }
0x106: {  	s8 =	sor.u32 s17, s25;
	[sflag:s6] =	ssyncadd.s32 $0xFFFFC000  }
0x107: {  	v3 =	vld [tilespmem:s8+$0x2100]  }
0x108: {  	v4 =	vld [tilespmem:s8+$0x6100];
	_ =	sdelay $0x1  }
0x109: {  	s18 =	simm.s32 $0x10  }
0x10a: {  	s11 =	simm.s32 $0x4;
	s21 =	simm.s32 $0x0;
	s10 =	simm.s32 $0x80  }
0x10b: {  	s19 =	sand.u32 $0x380, s11;
	s24 =	simm.s32 $0xC100;
	s20 =	sand.u32 $0xC00, s10;
	v5 =	vshll.u32 v3, $0x10  }
0x10c: {  	s25 =	sor.u32 s17, s23;
	s23 =	sor.u32 s23, s24;
	s22 =	sor.u32 s20, s21;
	v6 =	vshll.u32 v4, $0x10;
	v7 =	vand.u32 $0xFFFF0000, v3;
	v4 =	vand.u32 $0xFFFF0000, v4  }
0x10d: {  	s21 =	simm.s32 $0x2;
	s24 =	sor.u32 s25, s24;
	s8 =	simm.s32 $0x0;
	v3 =	vadd.f32 v6, v5;
	v4 =	vadd.f32 v4, v7  }
.LBB2_8:
0x10e: {  	p0 =	sne.s32 s21, $0x1FF;
	s23 =	sadd.s32 s9, s23;
	s9 =	sadd.s32 s9, s24  }
0x10f: {  	s22 =	sor.u32 s19, s22;
	s23 =	sor.u32 s17, s23;
	s17 =	sand.u32 $0x70, s18;
	[tilespmem:s9+$0x1000] =	vst v4  }
0x110: {  	s9 =	smov.u32 s19;
	s22 =	sor.u32 s17, s22;
	[tilespmem:s23+$0x0] =	vst v3;
	s23 =	smov.u32 s20  }
0x111: {  	v3 =	vld [tilespmem:s22+$0x2100]  }
0x112: {  	v4 =	vld [tilespmem:s22+$0x6100];
	_ =	sdelay $0x1  }
.Ltmp3:
0x113: {  	s10 =	sadd.s32 $0x80, s10;
	s18 =	sadd.s32 $0x10, s18;
	(pc) =	sbr.rel @p0 .LBB2_8-.Ltmp3, $4  }
0x114: {  	s24 =	sshll.u32 s8, $0xD;
	s8 =	sshrl.u32 s21, $0x8;
	s11 =	sadd.s32 $0x4, s11  }
0x115: {  	s19 =	sand.u32 $0x380, s11;
	s20 =	sand.u32 $0xC00, s10;
	s22 =	sshll.u32 s8, $0xC;
	v5 =	vshll.u32 v3, $0x10  }
0x116: {  	s24 =	sadd.s32 $0xC100, s24;
	s25 =	sor.u32 s17, s23;
	s22 =	sor.u32 s20, s22;
	v7 =	vand.u32 $0xFFFF0000, v3;
	v6 =	vshll.u32 v4, $0x10;
	v4 =	vand.u32 $0xFFFF0000, v4  }
0x117: {  	s21 =	sadd.s32 $0x1, s21;
	s23 =	sor.u32 s23, s24;
	s24 =	sor.u32 s25, s24;
	v3 =	vadd.f32 v6, v5;
	v4 =	vadd.f32 v4, v7  }
0x118: {  	s10 =	sadd.s32 s9, s23;
	s24 =	sadd.s32 s9, s24  }
0x119: {  	s11 =	sand.u32 $0x70, s18;
	s25 =	sor.u32 s19, s22;
	s10 =	sor.u32 s17, s10;
	[tilespmem:s24+$0x1000] =	vst v4  }
0x11a: {  	s18 =	sor.u32 s11, s25;
	[tilespmem:s10+$0x0] =	vst v3  }
0x11b: {  	v3 =	vld [tilespmem:s18+$0x2100]  }
0x11c: {  	v4 =	vld [tilespmem:s18+$0x6100];
	_ =	sdelay $0x3  }
0x11d: {  	s8 =	sshll.u32 s8, $0xD  }
0x11e: {  	s8 =	sadd.s32 $0xC100, s8;
	s21 =	sor.u32 s11, s20;
	v5 =	vand.u32 $0xFFFF0000, v3;
	v6 =	vand.u32 $0xFFFF0000, v4  }
0x11f: {  	s22 =	sor.u32 s20, s8;
	s8 =	sor.u32 s21, s8;
	v3 =	vshll.u32 v3, $0x10;
	v4 =	vshll.u32 v4, $0x10;
	v5 =	vadd.f32 v6, v5  }
0x120: {  	s23 =	sadd.s32 s19, s22;
	s8 =	sadd.s32 s19, s8;
	v3 =	vadd.f32 v4, v3  }
0x121: {  	s9 =	sor.u32 s11, s23;
	[tilespmem:s8+$0x1000] =	vst v5  }
0x122: {  	s24 =	rddreg [dreg:$0x7];
	[tilespmem:s9+$0x0] =	vst v3  }
0x123: {  	[hbm4b:s24+s2] =	stream.linear.scatter [tilespmem:s14], [sflag:$0x6], $0x4000, $0x38;
	[tilespmem:$0x10100] =	vst v63  }
0x124: {  	_ =	swait.ge [sflag:s15], $0x4000  }
0x125: {  	[sflag:s15] =	ssyncset.done $0x0  }
0x126: {  	[sflag:s15] =	ssyncadd.s32 $0xFFFFC000  }
0x127: {  	_ =	swait.ge [sflag:s6], $0x4000  }
0x128: {  	s16 =	sadd.s32 $0x1, s16;
	s25 =	rddreg [dreg:$0x8]  }
0x129: {  	p0 =	sne.s32 s16, s25  }
.Ltmp4:
0x12a: {  	_ = 	snop;
	(pc) =	sbr.rel @p0 .LBB2_1-.Ltmp4, $3  }
0x12b: {  	_ =	sdelay $0x1  }
0x12c: {  	[sflag:s6] =	ssyncset.done $0x0  }
0x12d: {  	[sflag:s6] =	ssyncadd.s32 $0xFFFFC000  }
0x12e: {  	_ =	sfence.sel $0x180000  }
0x12f: {  	[bflag:$0x0] =	sbarrier.arrive $0xFFFF  }
0x130: {  	_ =	strace $0x9000004A  }
0x131: {  	s0 =	stileid.u32;
	[bflag:$0x2] =	sbarrier.arrive $0xFFFF  }
0x132: {  	p0 =	sne.s32 s0, $0x0;
	s0 =	rddreg [dreg:$0x2]  }
0x133: {  	s0 =	sadd.s32 @!p0 $0x100000, s0  }
0x134: {  	[sflag:s0] =	ssyncadd.tile.s32 @!p0 $0x1;
	_ =	shalt  }
.Lfunc_end2:
_tile_overlayer_lowered:
.L_overlay_start_2:
0x135: {  	(tag) =	ssettag $0x2  }
0x136: {  	s0 =	rddreg [dreg:$0x0];
	s2 =	stileid.u32  }
0x137: {  	s1 =	rddreg [dreg:$0x1];
	p0 =	sne.s32 s2, $0x0  }
0x138: {  	s3 =	rddreg [dreg:$0x2];
	[bflag:$0x3] =	sbarrier.arrive $0xFFFF;
	s2 =	simm.s32 @!p0 $0x1C07  }
0x139: {  	[timem:s3], [sflag:s2] =	dma.local @!p0 [hbm:s0], s1  }
0x13a: {  	s0 =	simm.s32 @!p0 $0x7  }
0x13b: {  	_ =	swait.ge @!p0 [sflag:s0], s1  }
0x13c: {  	s1 =	ssub.s32 @!p0 $0x0, s1;
	[sflag:s0] =	ssyncset.done @!p0 $0x0  }
0x13d: {  	[sflag:s0] =	ssyncadd.s32 @!p0 s1  }
0x13e: {  	[bflag:$0x3] =	sbarrier.arrive $0xFFFF  }
0x13f: {  	_ =	shalt  }

</sc_bundles>
